<compile_context>
chip_gen: v7x
topology: tpu7x:2x2x1
jax: 0.10.2.dev20260603
libtpu: 0.0.44.dev20260713+nightly
codegen_flags: <defaults>
</compile_context>

<pallas_src>
import dataclasses
import functools

import jax
import jax.numpy as jnp
from jax import lax
from jax.experimental import pallas as pl
from jax.experimental.pallas import tpu as pltpu
from jax.experimental.pallas import tpu_sc as plsc

N = 10000
E = 320000
NC = 2
NS = 16
NW = NC * NS
EPW = E // NW
EB = 100
NBLK = EPW // EB
TW = 80
ZR = 16
NCH = N // ZR
CIT = -(-NCH // NS)
RPS = N // NS

_HI = jax.lax.Precision.HIGHEST
_f32 = jnp.float32


def _leaky_exp(s):
    return jnp.exp(jnp.maximum(s, s * jnp.float32(0.2)))



_R = 2000
_G = N // _R


def _tc_stage_a(x, W1, A_s, A_d):

    def body(x_ref, w_ref, as_ref, ad_ref, t_ref, adt_ref):
        h = lax.dot(x_ref[...], w_ref[...], precision=_HI,
                    preferred_element_type=_f32)
        als = lax.dot(h, as_ref[...], precision=_HI,
                      preferred_element_type=_f32)
        ald = lax.dot(h, ad_ref[...], precision=_HI,
                      preferred_element_type=_f32)
        z8 = jnp.zeros((_R, 8), _f32)
        t_ref[...] = jnp.concatenate([h, als, z8], axis=1)
        adt_ref[...] = jnp.concatenate([ald, z8], axis=1)

    return pl.pallas_call(
        body,
        grid=(_G,),
        in_specs=[
            pl.BlockSpec((_R, 128), lambda i: (i, 0)),
            pl.BlockSpec((128, 64), lambda i: (0, 0)),
            pl.BlockSpec((64, 8), lambda i: (0, 0)),
            pl.BlockSpec((64, 8), lambda i: (0, 0)),
        ],
        out_specs=[
            pl.BlockSpec((_R, TW), lambda i: (i, 0)),
            pl.BlockSpec((_R, 16), lambda i: (i, 0)),
        ],
        out_shape=[
            jax.ShapeDtypeStruct((N, TW), _f32),
            jax.ShapeDtypeStruct((N, 16), _f32),
        ],
    )(x, W1, A_s, A_d)


def _tc_stage_b(acc, t1, ad1, b1, W2, a2s, a2d):

    def body(a_ref, t_ref, adt_ref, b_ref, w_ref, a2s_ref, a2d_ref,
             t2_ref, adt2_ref):
        nb = a_ref[0, :, :64] + a_ref[1, :, :64]
        db = a_ref[0, :, 64:72] + a_ref[1, :, 64:72]
        h1 = t_ref[:, :64]
        as1 = t_ref[:, 64:72]
        ad1v = adt_ref[:, :8]
        wself = _leaky_exp(as1 + ad1v)
        parts = []
        for hh in range(8):
            ws = wself[:, hh:hh + 1]
            numh = nb[:, 8 * hh:8 * hh + 8] + h1[:, 8 * hh:8 * hh + 8] * ws
            denh = db[:, hh:hh + 1] + ws
            parts.append(numh / denh)
        out1 = jnp.concatenate(parts, axis=1) + b_ref[...]
        x2 = jnp.where(out1 > 0, out1, jnp.exp(out1) - jnp.float32(1.0))
        h2 = lax.dot(x2, w_ref[...], precision=_HI,
                     preferred_element_type=_f32)
        as2 = jnp.sum(h2 * a2s_ref[...], axis=1, keepdims=True)
        ad2 = jnp.sum(h2 * a2d_ref[...], axis=1, keepdims=True)
        z15 = jnp.zeros((_R, 15), _f32)
        t2_ref[...] = jnp.concatenate([h2, as2, z15], axis=1)
        adt2_ref[...] = jnp.concatenate([ad2, z15], axis=1)

    return pl.pallas_call(
        body,
        grid=(_G,),
        in_specs=[
            pl.BlockSpec((NC, _R, TW), lambda i: (0, i, 0)),
            pl.BlockSpec((_R, TW), lambda i: (i, 0)),
            pl.BlockSpec((_R, 16), lambda i: (i, 0)),
            pl.BlockSpec((1, 64), lambda i: (0, 0)),
            pl.BlockSpec((64, 64), lambda i: (0, 0)),
            pl.BlockSpec((1, 64), lambda i: (0, 0)),
            pl.BlockSpec((1, 64), lambda i: (0, 0)),
        ],
        out_specs=[
            pl.BlockSpec((_R, TW), lambda i: (i, 0)),
            pl.BlockSpec((_R, 16), lambda i: (i, 0)),
        ],
        out_shape=[
            jax.ShapeDtypeStruct((N, TW), _f32),
            jax.ShapeDtypeStruct((N, 16), _f32),
        ],
    )(acc, t1, ad1, b1, W2, a2s, a2d)


def _tc_stage_c(acc, t2, ad2, b2):

    def body(a_ref, t_ref, adt_ref, b_ref, o_ref):
        nb = a_ref[0, :, :64] + a_ref[1, :, :64]
        db = a_ref[0, :, 64:65] + a_ref[1, :, 64:65]
        h2 = t_ref[:, :64]
        as2 = t_ref[:, 64:65]
        ad2v = adt_ref[:, :1]
        wself = _leaky_exp(as2 + ad2v)
        o_ref[...] = (nb + h2 * wself) / (db + wself) + b_ref[...]

    return pl.pallas_call(
        body,
        grid=(_G,),
        in_specs=[
            pl.BlockSpec((NC, _R, TW), lambda i: (0, i, 0)),
            pl.BlockSpec((_R, TW), lambda i: (i, 0)),
            pl.BlockSpec((_R, 16), lambda i: (i, 0)),
            pl.BlockSpec((1, 64), lambda i: (0, 0)),
        ],
        out_specs=pl.BlockSpec((_R, 64), lambda i: (i, 0)),
        out_shape=jax.ShapeDtypeStruct((N, 64), _f32),
    )(acc, t2, ad2, b2)



def _sc_compiler_params():
    cp = pltpu.CompilerParams()
    fields = pltpu.CompilerParams.__dataclass_fields__
    if "needs_layout_passes" in fields:
        cp = dataclasses.replace(cp, needs_layout_passes=False)
    if "use_tc_tiling_on_sc" in fields:
        cp = dataclasses.replace(cp, use_tc_tiling_on_sc=False)
    return cp


@functools.partial(jax.jit, static_argnames=("shift",))
def _sc_edge_pass(t_arr, ad_arr, src, dst, *, shift):
    mesh = plsc.VectorSubcoreMesh(core_axis_name="c", subcore_axis_name="s",
                                  num_cores=NC, num_subcores=NS)

    def body(t_hbm, ad_hbm, src_hbm, dst_hbm, acc_hbm,
             t_sh, acc_sh, sidx, didx, trows, outw, adrows):
        cid = lax.axis_index("c")
        sid = lax.axis_index("s")
        wid = sid * NC + cid

        z16 = jnp.zeros((16,), _f32)

        @pl.loop(0, EB)
        def _(r):
            for c in range(5):
                outw[r, pl.ds(16 * c, 16)] = z16

        arow = sid * RPS
        for j in range(6):
            pltpu.sync_copy(outw, acc_sh.at[pl.ds(arow + j * EB, EB)])
        pltpu.sync_copy(outw.at[pl.ds(0, 25)],
                        acc_sh.at[pl.ds(arow + 6 * EB, 25)])

        @pl.loop(0, CIT)
        def _(i):
            c = i * NS + sid

            @pl.when(c < NCH)
            def _():
                r0 = c * ZR
                pltpu.sync_copy(t_hbm.at[pl.ds(r0, ZR)],
                                t_sh.at[pl.ds(r0, ZR)])

        plsc.subcore_barrier()

        iot = lax.iota(jnp.int32, 16)
        pks = [jnp.int32(64) + lax.shift_right_logical(iot + (16 * k), shift)
               for k in range(4)]

        pltpu.sync_copy(src_hbm.at[wid], sidx)
        pltpu.sync_copy(dst_hbm.at[wid], didx)

        @pl.loop(0, NBLK)
        def _(k):
            pltpu.sync_copy(t_sh.at[sidx.at[k]], trows)
            pltpu.sync_copy(ad_hbm.at[didx.at[k, 0]], adrows)

            @pl.loop(0, EB)
            def _(b):
                a_s, _ = plsc.unpack(trows[b, pl.ds(64, 32)],
                                     format=plsc.PackFormat.INTERLEAVED,
                                     preferred_element_type=_f32)
                s = a_s + adrows[b, pl.ds(0, 16)]
                w = _leaky_exp(s)
                outw[b, pl.ds(64, 16)] = w
                rowi = jnp.full((16,), b, jnp.int32)
                for kk in range(2):
                    ha, hb = plsc.unpack(trows[b, pl.ds(32 * kk, 32)],
                                         format=plsc.PackFormat.INTERLEAVED,
                                         preferred_element_type=_f32)
                    wba = plsc.load_gather(outw, [rowi, pks[2 * kk]])
                    wbb = plsc.load_gather(outw, [rowi, pks[2 * kk + 1]])
                    outw[b, pl.ds(32 * kk, 16)] = ha * wba
                    outw[b, pl.ds(32 * kk + 16, 16)] = hb * wbb

            pltpu.sync_copy(outw, acc_sh.at[didx.at[k, 0]], add=True)

        plsc.subcore_barrier()

        @pl.loop(0, CIT)
        def _(i):
            c = i * NS + sid

            @pl.when(c < NCH)
            def _():
                r0 = c * ZR
                pltpu.sync_copy(acc_sh.at[pl.ds(r0, ZR)],
                                acc_hbm.at[cid, pl.ds(r0, ZR)])

    kern = pl.kernel(
        body,
        out_type=jax.ShapeDtypeStruct((NC, N, TW), _f32),
        mesh=mesh,
        scratch_types=[
            pltpu.VMEM_SHARED((N, 96), jnp.bfloat16),
            pltpu.VMEM_SHARED((N, TW), _f32),
            pltpu.VMEM((NBLK, EB), jnp.int32),
            pltpu.VMEM((NBLK, 1, EB), jnp.int32),
            pltpu.VMEM((EB, 96), jnp.bfloat16),
            pltpu.VMEM((EB, TW), _f32),
            pltpu.VMEM((EB, 16), _f32),
        ],
        compiler_params=_sc_compiler_params(),
    )
    return kern(t_arr, ad_arr, src.reshape(NW, NBLK, EB),
                dst.reshape(NW, NBLK, 1, EB))



def _to_bf16_table(t):
    x96 = jnp.concatenate([t, jnp.zeros((N, 16), _f32)], axis=1)
    x96 = x96.reshape(N, 3, 2, 16).swapaxes(2, 3).reshape(N, 96)
    return x96.astype(jnp.bfloat16)


def kernel(x, edge_index, W1, a_src1, a_dst1, b1, W2, a_src2, a_dst2, b2):
    src = edge_index[0]
    dst = edge_index[1]

    eye8 = jnp.eye(8, dtype=_f32)
    A_s1 = (a_src1.reshape(8, 8)[:, :, None] * eye8[:, None, :]).reshape(64, 8)
    A_d1 = (a_dst1.reshape(8, 8)[:, :, None] * eye8[:, None, :]).reshape(64, 8)

    t1, ad1 = _tc_stage_a(x, W1, A_s1, A_d1)
    acc1 = _sc_edge_pass(_to_bf16_table(t1), ad1, src, dst, shift=3)
    t2, ad2 = _tc_stage_b(acc1, t1, ad1, b1.reshape(1, 64), W2,
                          a_src2.reshape(1, 64), a_dst2.reshape(1, 64))
    acc2 = _sc_edge_pass(_to_bf16_table(t2), ad2, src, dst, shift=6)
    return _tc_stage_c(acc2, t2, ad2, b2.reshape(1, 64))

# --- scband reference (transcript-rebuilt; emitter-appended) ---
"""Pipeline reference for scband-gat-73641509257451 (READ-ONLY COPY).

The authoritative reference and input builder live on the scoring server;
editing this copy changes nothing except your own understanding.
"""

import jax, jax.numpy as jnp
import numpy as np

N = 10000
E = 320000
D_IN = 128
D_OUT = 64


def _gat_conv(x, src, dst, W, a_src, a_dst, bias, H, C):
    n = x.shape[0]
    h = (x @ W).reshape(n, H, C)
    alpha_s = (h * a_src).sum(-1)  # [n, H]
    alpha_d = (h * a_dst).sum(-1)  # [n, H]
    e = jax.nn.leaky_relu(alpha_s[src] + alpha_d[dst], 0.2)  # [e, H]
    emax = jax.ops.segment_max(e, dst, num_segments=n)
    ex = jnp.exp(e - emax[dst])
    denom = jax.ops.segment_sum(ex, dst, num_segments=n)
    alpha = ex / (denom[dst] + 1e-16)
    out = jax.ops.segment_sum(h[src] * alpha[:, :, None], dst, num_segments=n)
    return out.reshape(n, H * C) + bias


def setup_inputs(seed: int = 0):
    key = jax.random.key(seed)
    ks = [jax.random.fold_in(key, i) for i in range(12)]
    x = jax.random.normal(ks[0], (N, D_IN), dtype=jnp.float32)
    edge_index = jax.random.randint(ks[1], (2, E), 0, N, dtype=jnp.int32)
    W1 = jax.random.normal(ks[2], (D_IN, 64), dtype=jnp.float32) * 0.1
    a_src1 = jax.random.normal(ks[3], (1, 8, 8), dtype=jnp.float32) * 0.1
    a_dst1 = jax.random.normal(ks[4], (1, 8, 8), dtype=jnp.float32) * 0.1
    b1 = jnp.zeros((64,), dtype=jnp.float32)
    W2 = jax.random.normal(ks[5], (64, D_OUT), dtype=jnp.float32) * 0.1
    a_src2 = jax.random.normal(ks[6], (1, 1, D_OUT), dtype=jnp.float32) * 0.1
    a_dst2 = jax.random.normal(ks[7], (1, 1, D_OUT), dtype=jnp.float32) * 0.1
    b2 = jnp.zeros((D_OUT,), dtype=jnp.float32)
    return {"x": x, "edge_index": edge_index, "W1": W1, "a_src1": a_src1, "a_dst1": a_dst1, "b1": b1, "W2": W2, "a_src2": a_src2, "a_dst2": a_dst2, "b2": b2}


def reference(x, edge_index, W1, a_src1, a_dst1, b1, W2, a_src2, a_dst2, b2):
    # GAT forward (task='region_triplet'), eval mode: the two F.dropout(p=0.6)
    # calls are identity when training=False.
    n = x.shape[0]
    loops = jnp.arange(n, dtype=edge_index.dtype)
    src = jnp.concatenate([edge_index[0], loops])  # GATConv add_self_loops=True
    dst = jnp.concatenate([edge_index[1], loops])
    h = _gat_conv(x, src, dst, W1, a_src1, a_dst1, b1, 8, 8)   # conv1: heads=8, C=8, concat -> 64
    h = jax.nn.elu(h)
    out = _gat_conv(h, src, dst, W2, a_src2, a_dst2, b2, 1, D_OUT)  # conv2: heads=1
    return out

if __name__ == "__main__":
    import jax
    _d = setup_inputs()
    print(jax.jit(kernel)(*tuple(_d.values())))

</pallas_src>

<mosaic_0001>
#map = affine_map<(d0, d1) -> (0, 0)>
#map1 = affine_map<(d0, d1) -> (0, 0, 0)>
#map2 = affine_map<(d0, d1) -> (0, 0, 0, 0)>
module attributes {stable_mosaic.version = 14 : i64} {
  func.func @body(%arg0: i32, %arg1: i32, %arg2: memref<10000x96xbf16, #tpu.memory_space<hbm>>, %arg3: memref<10000x16xf32, #tpu.memory_space<hbm>>, %arg4: memref<32x100x100xi32, #tpu.memory_space<hbm>>, %arg5: memref<32x100x1x100xi32, #tpu.memory_space<hbm>>, %arg6: memref<2x10000x80xf32, #tpu.memory_space<hbm>>, %arg7: memref<10000x96xbf16, #tpu.memory_space<vmem_shared>>, %arg8: memref<10000x80xf32, #tpu.memory_space<vmem_shared>>, %arg9: memref<100x100xi32, #tpu.memory_space<vmem>>, %arg10: memref<100x1x100xi32, #tpu.memory_space<vmem>>, %arg11: memref<100x96xbf16, #tpu.memory_space<vmem>>, %arg12: memref<100x80xf32, #tpu.memory_space<vmem>>, %arg13: memref<100x16xf32, #tpu.memory_space<vmem>>) attributes {dimension_semantics = [#tpu.dimension_semantics<core_parallel>, #tpu.dimension_semantics<subcore_parallel>], iteration_bounds = array<i64: 2, 16>, scalar_prefetch = 0 : i64, scratch_operands = 7 : i64, tpu.core_type = #tpu.core_type<sc_vector_subcore>, window_params = [{transform_indices = #map}, {transform_indices = #map}, {transform_indices = #map1}, {transform_indices = #map2}, {transform_indices = #map1}]} {
    %mul3A = arith.constant 2 : i32
    %mul3A_0 = arith.muli %arg1, %mul3A : i32
    %add3A = arith.addi %mul3A_0, %arg0 : i32
    %broadcast_in_dim3A = arith.constant 0.000000e+00 : f32
    %broadcast_in_dim3A_1 = vector.broadcast %broadcast_in_dim3A : f32 to vector<16xf32>
    %scan3A = arith.constant 0 : i32
    %scan3A_2 = arith.constant 100 : i32
    %scan3A_3 = arith.addi %scan3A, %scan3A_2 : i32
    %scan3A_4 = arith.constant 1 : i32
    scf.for %scan3A_73 = %scan3A to %scan3A_3 step %scan3A_4  : i32 {
      %mul3A_74 = arith.constant 1 : i32
      %mul3A_75 = arith.muli %scan3A_73, %mul3A_74 : i32
      %add3A_76 = arith.constant 0 : i32
      %add3A_77 = arith.addi %add3A_76, %mul3A_75 : i32
      %swap3A = arith.index_cast %add3A_77 : i32 to index
      %swap3A_78 = arith.constant 0 : index
      %swap3A_79 = tpu.vector_load %arg12[%swap3A, %swap3A_78] {strides = array<i32>} : memref<100x80xf32, #tpu.memory_space<vmem>>, vector<16xf32>,
      tpu.vector_store %arg12[%swap3A, %swap3A_78], %broadcast_in_dim3A_1 {strides = array<i32>} : memref<100x80xf32, #tpu.memory_space<vmem>>, vector<16xf32>,
      %swap3A_80 = arith.index_cast %add3A_77 : i32 to index
      %swap3A_81 = arith.constant 16 : index
      %swap3A_82 = tpu.vector_load %arg12[%swap3A_80, %swap3A_81] {strides = array<i32>} : memref<100x80xf32, #tpu.memory_space<vmem>>, vector<16xf32>,
      tpu.vector_store %arg12[%swap3A_80, %swap3A_81], %broadcast_in_dim3A_1 {strides = array<i32>} : memref<100x80xf32, #tpu.memory_space<vmem>>, vector<16xf32>,
      %swap3A_83 = arith.index_cast %add3A_77 : i32 to index
      %swap3A_84 = arith.constant 32 : index
      %swap3A_85 = tpu.vector_load %arg12[%swap3A_83, %swap3A_84] {strides = array<i32>} : memref<100x80xf32, #tpu.memory_space<vmem>>, vector<16xf32>,
      tpu.vector_store %arg12[%swap3A_83, %swap3A_84], %broadcast_in_dim3A_1 {strides = array<i32>} : memref<100x80xf32, #tpu.memory_space<vmem>>, vector<16xf32>,
      %swap3A_86 = arith.index_cast %add3A_77 : i32 to index
      %swap3A_87 = arith.constant 48 : index
      %swap3A_88 = tpu.vector_load %arg12[%swap3A_86, %swap3A_87] {strides = array<i32>} : memref<100x80xf32, #tpu.memory_space<vmem>>, vector<16xf32>,
      tpu.vector_store %arg12[%swap3A_86, %swap3A_87], %broadcast_in_dim3A_1 {strides = array<i32>} : memref<100x80xf32, #tpu.memory_space<vmem>>, vector<16xf32>,
      %swap3A_89 = arith.index_cast %add3A_77 : i32 to index
      %swap3A_90 = arith.constant 64 : index
      %swap3A_91 = tpu.vector_load %arg12[%swap3A_89, %swap3A_90] {strides = array<i32>} : memref<100x80xf32, #tpu.memory_space<vmem>>, vector<16xf32>,
      tpu.vector_store %arg12[%swap3A_89, %swap3A_90], %broadcast_in_dim3A_1 {strides = array<i32>} : memref<100x80xf32, #tpu.memory_space<vmem>>, vector<16xf32>,
    }
    %scan3A_5 = arith.constant 100 : i32
    %mul3A_6 = arith.constant 625 : i32
    %mul3A_7 = arith.muli %arg1, %mul3A_6 : i32
    %add3A_8 = arith.constant 0 : i32
    %add3A_9 = arith.addi %mul3A_7, %add3A_8 : i32
    "tpu.region"() ({
      %run_scoped3A = tpu.sem_alloc : memref<!tpu.dma_semaphore, #tpu.memory_space<semaphore_mem>>
      %dma_start3A = arith.constant 0 : i32
      %dma_start3A_73 = tpu.memref_slice %arg8[%add3A_9, %dma_start3A] : memref<10000x80xf32, #tpu.memory_space<vmem_shared>> -> memref<100x80xf32, #tpu.memory_space<vmem_shared>>
      %dma_start3A_74 = arith.constant 0 : i32
      %dma_start3A_75 = tpu.memref_slice %arg8[%add3A_9, %dma_start3A_74] : memref<10000x80xf32, #tpu.memory_space<vmem_shared>> -> memref<100x80xf32, #tpu.memory_space<vmem_shared>>
      tpu.enqueue_dma source(%arg12 : memref<100x80xf32, #tpu.memory_space<vmem>>) target(%dma_start3A_75 : memref<100x80xf32, #tpu.memory_space<vmem_shared>>) target_semaphore(%run_scoped3A : memref<!tpu.dma_semaphore, #tpu.memory_space<semaphore_mem>>)
      %dma_wait3A = arith.constant 0 : i32
      %dma_wait3A_76 = tpu.memref_slice %arg8[%add3A_9, %dma_wait3A] : memref<10000x80xf32, #tpu.memory_space<vmem_shared>> -> memref<100x80xf32, #tpu.memory_space<vmem_shared>>
      %dma_wait3A_77 = arith.constant 0 : i32
      %dma_wait3A_78 = tpu.memref_slice %arg8[%add3A_9, %dma_wait3A_77] : memref<10000x80xf32, #tpu.memory_space<vmem_shared>> -> memref<100x80xf32, #tpu.memory_space<vmem_shared>>
      tpu.wait_dma2 semaphore(%run_scoped3A : memref<!tpu.dma_semaphore, #tpu.memory_space<semaphore_mem>>) src(%arg12 : memref<100x80xf32, #tpu.memory_space<vmem>>) dst(%dma_wait3A_78 : memref<100x80xf32, #tpu.memory_space<vmem_shared>>)
      tpu.yield
    }) : () -> ()
    %add3A_10 = arith.constant 100 : i32
    %add3A_11 = arith.addi %mul3A_7, %add3A_10 : i32
    "tpu.region"() ({
      %run_scoped3A = tpu.sem_alloc : memref<!tpu.dma_semaphore, #tpu.memory_space<semaphore_mem>>
      %dma_start3A = arith.constant 0 : i32
      %dma_start3A_73 = tpu.memref_slice %arg8[%add3A_11, %dma_start3A] : memref<10000x80xf32, #tpu.memory_space<vmem_shared>> -> memref<100x80xf32, #tpu.memory_space<vmem_shared>>
      %dma_start3A_74 = arith.constant 0 : i32
      %dma_start3A_75 = tpu.memref_slice %arg8[%add3A_11, %dma_start3A_74] : memref<10000x80xf32, #tpu.memory_space<vmem_shared>> -> memref<100x80xf32, #tpu.memory_space<vmem_shared>>
      tpu.enqueue_dma source(%arg12 : memref<100x80xf32, #tpu.memory_space<vmem>>) target(%dma_start3A_75 : memref<100x80xf32, #tpu.memory_space<vmem_shared>>) target_semaphore(%run_scoped3A : memref<!tpu.dma_semaphore, #tpu.memory_space<semaphore_mem>>)
      %dma_wait3A = arith.constant 0 : i32
      %dma_wait3A_76 = tpu.memref_slice %arg8[%add3A_11, %dma_wait3A] : memref<10000x80xf32, #tpu.memory_space<vmem_shared>> -> memref<100x80xf32, #tpu.memory_space<vmem_shared>>
      %dma_wait3A_77 = arith.constant 0 : i32
      %dma_wait3A_78 = tpu.memref_slice %arg8[%add3A_11, %dma_wait3A_77] : memref<10000x80xf32, #tpu.memory_space<vmem_shared>> -> memref<100x80xf32, #tpu.memory_space<vmem_shared>>
      tpu.wait_dma2 semaphore(%run_scoped3A : memref<!tpu.dma_semaphore, #tpu.memory_space<semaphore_mem>>) src(%arg12 : memref<100x80xf32, #tpu.memory_space<vmem>>) dst(%dma_wait3A_78 : memref<100x80xf32, #tpu.memory_space<vmem_shared>>)
      tpu.yield
    }) : () -> ()
    %add3A_12 = arith.constant 200 : i32
    %add3A_13 = arith.addi %mul3A_7, %add3A_12 : i32
    "tpu.region"() ({
      %run_scoped3A = tpu.sem_alloc : memref<!tpu.dma_semaphore, #tpu.memory_space<semaphore_mem>>
      %dma_start3A = arith.constant 0 : i32
      %dma_start3A_73 = tpu.memref_slice %arg8[%add3A_13, %dma_start3A] : memref<10000x80xf32, #tpu.memory_space<vmem_shared>> -> memref<100x80xf32, #tpu.memory_space<vmem_shared>>
      %dma_start3A_74 = arith.constant 0 : i32
      %dma_start3A_75 = tpu.memref_slice %arg8[%add3A_13, %dma_start3A_74] : memref<10000x80xf32, #tpu.memory_space<vmem_shared>> -> memref<100x80xf32, #tpu.memory_space<vmem_shared>>
      tpu.enqueue_dma source(%arg12 : memref<100x80xf32, #tpu.memory_space<vmem>>) target(%dma_start3A_75 : memref<100x80xf32, #tpu.memory_space<vmem_shared>>) target_semaphore(%run_scoped3A : memref<!tpu.dma_semaphore, #tpu.memory_space<semaphore_mem>>)
      %dma_wait3A = arith.constant 0 : i32
      %dma_wait3A_76 = tpu.memref_slice %arg8[%add3A_13, %dma_wait3A] : memref<10000x80xf32, #tpu.memory_space<vmem_shared>> -> memref<100x80xf32, #tpu.memory_space<vmem_shared>>
      %dma_wait3A_77 = arith.constant 0 : i32
      %dma_wait3A_78 = tpu.memref_slice %arg8[%add3A_13, %dma_wait3A_77] : memref<10000x80xf32, #tpu.memory_space<vmem_shared>> -> memref<100x80xf32, #tpu.memory_space<vmem_shared>>
      tpu.wait_dma2 semaphore(%run_scoped3A : memref<!tpu.dma_semaphore, #tpu.memory_space<semaphore_mem>>) src(%arg12 : memref<100x80xf32, #tpu.memory_space<vmem>>) dst(%dma_wait3A_78 : memref<100x80xf32, #tpu.memory_space<vmem_shared>>)
      tpu.yield
    }) : () -> ()
    %add3A_14 = arith.constant 300 : i32
    %add3A_15 = arith.addi %mul3A_7, %add3A_14 : i32
    "tpu.region"() ({
      %run_scoped3A = tpu.sem_alloc : memref<!tpu.dma_semaphore, #tpu.memory_space<semaphore_mem>>
      %dma_start3A = arith.constant 0 : i32
      %dma_start3A_73 = tpu.memref_slice %arg8[%add3A_15, %dma_start3A] : memref<10000x80xf32, #tpu.memory_space<vmem_shared>> -> memref<100x80xf32, #tpu.memory_space<vmem_shared>>
      %dma_start3A_74 = arith.constant 0 : i32
      %dma_start3A_75 = tpu.memref_slice %arg8[%add3A_15, %dma_start3A_74] : memref<10000x80xf32, #tpu.memory_space<vmem_shared>> -> memref<100x80xf32, #tpu.memory_space<vmem_shared>>
      tpu.enqueue_dma source(%arg12 : memref<100x80xf32, #tpu.memory_space<vmem>>) target(%dma_start3A_75 : memref<100x80xf32, #tpu.memory_space<vmem_shared>>) target_semaphore(%run_scoped3A : memref<!tpu.dma_semaphore, #tpu.memory_space<semaphore_mem>>)
      %dma_wait3A = arith.constant 0 : i32
      %dma_wait3A_76 = tpu.memref_slice %arg8[%add3A_15, %dma_wait3A] : memref<10000x80xf32, #tpu.memory_space<vmem_shared>> -> memref<100x80xf32, #tpu.memory_space<vmem_shared>>
      %dma_wait3A_77 = arith.constant 0 : i32
      %dma_wait3A_78 = tpu.memref_slice %arg8[%add3A_15, %dma_wait3A_77] : memref<10000x80xf32, #tpu.memory_space<vmem_shared>> -> memref<100x80xf32, #tpu.memory_space<vmem_shared>>
      tpu.wait_dma2 semaphore(%run_scoped3A : memref<!tpu.dma_semaphore, #tpu.memory_space<semaphore_mem>>) src(%arg12 : memref<100x80xf32, #tpu.memory_space<vmem>>) dst(%dma_wait3A_78 : memref<100x80xf32, #tpu.memory_space<vmem_shared>>)
      tpu.yield
    }) : () -> ()
    %add3A_16 = arith.constant 400 : i32
    %add3A_17 = arith.addi %mul3A_7, %add3A_16 : i32
    "tpu.region"() ({
      %run_scoped3A = tpu.sem_alloc : memref<!tpu.dma_semaphore, #tpu.memory_space<semaphore_mem>>
      %dma_start3A = arith.constant 0 : i32
      %dma_start3A_73 = tpu.memref_slice %arg8[%add3A_17, %dma_start3A] : memref<10000x80xf32, #tpu.memory_space<vmem_shared>> -> memref<100x80xf32, #tpu.memory_space<vmem_shared>>
      %dma_start3A_74 = arith.constant 0 : i32
      %dma_start3A_75 = tpu.memref_slice %arg8[%add3A_17, %dma_start3A_74] : memref<10000x80xf32, #tpu.memory_space<vmem_shared>> -> memref<100x80xf32, #tpu.memory_space<vmem_shared>>
      tpu.enqueue_dma source(%arg12 : memref<100x80xf32, #tpu.memory_space<vmem>>) target(%dma_start3A_75 : memref<100x80xf32, #tpu.memory_space<vmem_shared>>) target_semaphore(%run_scoped3A : memref<!tpu.dma_semaphore, #tpu.memory_space<semaphore_mem>>)
      %dma_wait3A = arith.constant 0 : i32
      %dma_wait3A_76 = tpu.memref_slice %arg8[%add3A_17, %dma_wait3A] : memref<10000x80xf32, #tpu.memory_space<vmem_shared>> -> memref<100x80xf32, #tpu.memory_space<vmem_shared>>
      %dma_wait3A_77 = arith.constant 0 : i32
      %dma_wait3A_78 = tpu.memref_slice %arg8[%add3A_17, %dma_wait3A_77] : memref<10000x80xf32, #tpu.memory_space<vmem_shared>> -> memref<100x80xf32, #tpu.memory_space<vmem_shared>>
      tpu.wait_dma2 semaphore(%run_scoped3A : memref<!tpu.dma_semaphore, #tpu.memory_space<semaphore_mem>>) src(%arg12 : memref<100x80xf32, #tpu.memory_space<vmem>>) dst(%dma_wait3A_78 : memref<100x80xf32, #tpu.memory_space<vmem_shared>>)
      tpu.yield
    }) : () -> ()
    %add3A_18 = arith.constant 500 : i32
    %add3A_19 = arith.addi %mul3A_7, %add3A_18 : i32
    "tpu.region"() ({
      %run_scoped3A = tpu.sem_alloc : memref<!tpu.dma_semaphore, #tpu.memory_space<semaphore_mem>>
      %dma_start3A = arith.constant 0 : i32
      %dma_start3A_73 = tpu.memref_slice %arg8[%add3A_19, %dma_start3A] : memref<10000x80xf32, #tpu.memory_space<vmem_shared>> -> memref<100x80xf32, #tpu.memory_space<vmem_shared>>
      %dma_start3A_74 = arith.constant 0 : i32
      %dma_start3A_75 = tpu.memref_slice %arg8[%add3A_19, %dma_start3A_74] : memref<10000x80xf32, #tpu.memory_space<vmem_shared>> -> memref<100x80xf32, #tpu.memory_space<vmem_shared>>
      tpu.enqueue_dma source(%arg12 : memref<100x80xf32, #tpu.memory_space<vmem>>) target(%dma_start3A_75 : memref<100x80xf32, #tpu.memory_space<vmem_shared>>) target_semaphore(%run_scoped3A : memref<!tpu.dma_semaphore, #tpu.memory_space<semaphore_mem>>)
      %dma_wait3A = arith.constant 0 : i32
      %dma_wait3A_76 = tpu.memref_slice %arg8[%add3A_19, %dma_wait3A] : memref<10000x80xf32, #tpu.memory_space<vmem_shared>> -> memref<100x80xf32, #tpu.memory_space<vmem_shared>>
      %dma_wait3A_77 = arith.constant 0 : i32
      %dma_wait3A_78 = tpu.memref_slice %arg8[%add3A_19, %dma_wait3A_77] : memref<10000x80xf32, #tpu.memory_space<vmem_shared>> -> memref<100x80xf32, #tpu.memory_space<vmem_shared>>
      tpu.wait_dma2 semaphore(%run_scoped3A : memref<!tpu.dma_semaphore, #tpu.memory_space<semaphore_mem>>) src(%arg12 : memref<100x80xf32, #tpu.memory_space<vmem>>) dst(%dma_wait3A_78 : memref<100x80xf32, #tpu.memory_space<vmem_shared>>)
      tpu.yield
    }) : () -> ()
    %add3A_20 = arith.constant 600 : i32
    %add3A_21 = arith.addi %mul3A_7, %add3A_20 : i32
    "tpu.region"() ({
      %run_scoped3A = tpu.sem_alloc : memref<!tpu.dma_semaphore, #tpu.memory_space<semaphore_mem>>
      %dma_start3A = arith.constant 0 : i32
      %dma_start3A_73 = arith.constant 0 : i32
      %dma_start3A_74 = tpu.memref_slice %arg12[%dma_start3A, %dma_start3A_73] : memref<100x80xf32, #tpu.memory_space<vmem>> -> memref<25x80xf32, #tpu.memory_space<vmem>>
      %dma_start3A_75 = arith.constant 0 : i32
      %dma_start3A_76 = tpu.memref_slice %arg8[%add3A_21, %dma_start3A_75] : memref<10000x80xf32, #tpu.memory_space<vmem_shared>> -> memref<25x80xf32, #tpu.memory_space<vmem_shared>>
      %dma_start3A_77 = arith.constant 0 : i32
      %dma_start3A_78 = tpu.memref_slice %arg8[%add3A_21, %dma_start3A_77] : memref<10000x80xf32, #tpu.memory_space<vmem_shared>> -> memref<25x80xf32, #tpu.memory_space<vmem_shared>>
      %dma_start3A_79 = arith.constant 0 : i32
      %dma_start3A_80 = arith.constant 0 : i32
      %dma_start3A_81 = tpu.memref_slice %arg12[%dma_start3A_79, %dma_start3A_80] : memref<100x80xf32, #tpu.memory_space<vmem>> -> memref<25x80xf32, #tpu.memory_space<vmem>>
      tpu.enqueue_dma source(%dma_start3A_81 : memref<25x80xf32, #tpu.memory_space<vmem>>) target(%dma_start3A_78 : memref<25x80xf32, #tpu.memory_space<vmem_shared>>) target_semaphore(%run_scoped3A : memref<!tpu.dma_semaphore, #tpu.memory_space<semaphore_mem>>)
      %dma_wait3A = arith.constant 0 : i32
      %dma_wait3A_82 = arith.constant 0 : i32
      %dma_wait3A_83 = tpu.memref_slice %arg12[%dma_wait3A, %dma_wait3A_82] : memref<100x80xf32, #tpu.memory_space<vmem>> -> memref<25x80xf32, #tpu.memory_space<vmem>>
      %dma_wait3A_84 = arith.constant 0 : i32
      %dma_wait3A_85 = tpu.memref_slice %arg8[%add3A_21, %dma_wait3A_84] : memref<10000x80xf32, #tpu.memory_space<vmem_shared>> -> memref<25x80xf32, #tpu.memory_space<vmem_shared>>
      %dma_wait3A_86 = arith.constant 0 : i32
      %dma_wait3A_87 = tpu.memref_slice %arg8[%add3A_21, %dma_wait3A_86] : memref<10000x80xf32, #tpu.memory_space<vmem_shared>> -> memref<25x80xf32, #tpu.memory_space<vmem_shared>>
      %dma_wait3A_88 = arith.constant 0 : i32
      %dma_wait3A_89 = arith.constant 0 : i32
      %dma_wait3A_90 = tpu.memref_slice %arg12[%dma_wait3A_88, %dma_wait3A_89] : memref<100x80xf32, #tpu.memory_space<vmem>> -> memref<25x80xf32, #tpu.memory_space<vmem>>
      tpu.wait_dma2 semaphore(%run_scoped3A : memref<!tpu.dma_semaphore, #tpu.memory_space<semaphore_mem>>) src(%dma_wait3A_90 : memref<25x80xf32, #tpu.memory_space<vmem>>) dst(%dma_wait3A_87 : memref<25x80xf32, #tpu.memory_space<vmem_shared>>)
      tpu.yield
    }) : () -> ()
    %scan3A_22 = arith.constant 0 : i32
    %scan3A_23 = arith.constant 40 : i32
    %scan3A_24 = arith.addi %scan3A_22, %scan3A_23 : i32
    %scan3A_25 = arith.constant 1 : i32
    scf.for %scan3A_73 = %scan3A_22 to %scan3A_24 step %scan3A_25  : i32 {
      %mul3A_74 = arith.constant 1 : i32
      %mul3A_75 = arith.muli %scan3A_73, %mul3A_74 : i32
      %add3A_76 = arith.constant 0 : i32
      %add3A_77 = arith.addi %add3A_76, %mul3A_75 : i32
      %mul3A_78 = arith.constant 16 : i32
      %mul3A_79 = arith.muli %add3A_77, %mul3A_78 : i32
      %add3A_80 = arith.addi %mul3A_79, %arg1 : i32
      %lt3A = arith.constant 625 : i32
      %lt3A_81 = arith.cmpi slt, %add3A_80, %lt3A : i32
      %convert_element_type3A = arith.extui %lt3A_81 : i1 to i32
      %cond3A = arith.constant 0 : i32
      %cond3A_82 = arith.cmpi ne, %convert_element_type3A, %cond3A : i32
      scf.if %cond3A_82 {
        %mul3A_83 = arith.constant 16 : i32
        %mul3A_84 = arith.muli %add3A_80, %mul3A_83 : i32
        "tpu.region"() ({
          %run_scoped3A = tpu.sem_alloc : memref<!tpu.dma_semaphore, #tpu.memory_space<semaphore_mem>>
          %dma_start3A = arith.constant 0 : i32
          %dma_start3A_85 = tpu.memref_slice %arg7[%mul3A_84, %dma_start3A] : memref<10000x96xbf16, #tpu.memory_space<vmem_shared>> -> memref<16x96xbf16, #tpu.memory_space<vmem_shared>>
          %dma_start3A_86 = arith.constant 0 : i32
          %dma_start3A_87 = tpu.memref_slice %arg2[%mul3A_84, %dma_start3A_86] : memref<10000x96xbf16, #tpu.memory_space<hbm>> -> memref<16x96xbf16, #tpu.memory_space<hbm>>
          tpu.enqueue_dma source(%dma_start3A_87 : memref<16x96xbf16, #tpu.memory_space<hbm>>) target(%dma_start3A_85 : memref<16x96xbf16, #tpu.memory_space<vmem_shared>>) target_semaphore(%run_scoped3A : memref<!tpu.dma_semaphore, #tpu.memory_space<semaphore_mem>>)
          %dma_wait3A = arith.constant 0 : i32
          %dma_wait3A_88 = tpu.memref_slice %arg7[%mul3A_84, %dma_wait3A] : memref<10000x96xbf16, #tpu.memory_space<vmem_shared>> -> memref<16x96xbf16, #tpu.memory_space<vmem_shared>>
          %dma_wait3A_89 = arith.constant 0 : i32
          %dma_wait3A_90 = tpu.memref_slice %arg2[%mul3A_84, %dma_wait3A_89] : memref<10000x96xbf16, #tpu.memory_space<hbm>> -> memref<16x96xbf16, #tpu.memory_space<hbm>>
          tpu.wait_dma2 semaphore(%run_scoped3A : memref<!tpu.dma_semaphore, #tpu.memory_space<semaphore_mem>>) src(%dma_wait3A_90 : memref<16x96xbf16, #tpu.memory_space<hbm>>) dst(%dma_wait3A_88 : memref<16x96xbf16, #tpu.memory_space<vmem_shared>>)
          tpu.yield
        }) : () -> ()
      } else {
      }
    }
    %scan3A_26 = arith.constant 40 : i32
    %barrier3A = arith.constant 0 : index
    tpu.barrier barrier_id(%barrier3A)
    %iota3A = tpu.iota {dimensions = array<i32: 0>} : vector<16xi32>
    %add3A_27 = arith.constant 0 : i32
    %add3A_28 = vector.broadcast %add3A_27 : i32 to vector<16xi32>
    %add3A_29 = arith.addi %iota3A, %add3A_28 : vector<16xi32>
    %shift_right_logical3A = arith.constant 3 : i32
    %shift_right_logical3A_30 = vector.broadcast %shift_right_logical3A : i32 to vector<16xi32>
    %shift_right_logical3A_31 = arith.shrui %add3A_29, %shift_right_logical3A_30 : vector<16xi32>
    %add3A_32 = arith.constant 64 : i32
    %add3A_33 = vector.broadcast %add3A_32 : i32 to vector<16xi32>
    %add3A_34 = arith.addi %add3A_33, %shift_right_logical3A_31 : vector<16xi32>
    %add3A_35 = arith.constant 16 : i32
    %add3A_36 = vector.broadcast %add3A_35 : i32 to vector<16xi32>
    %add3A_37 = arith.addi %iota3A, %add3A_36 : vector<16xi32>
    %shift_right_logical3A_38 = arith.constant 3 : i32
    %shift_right_logical3A_39 = vector.broadcast %shift_right_logical3A_38 : i32 to vector<16xi32>
    %shift_right_logical3A_40 = arith.shrui %add3A_37, %shift_right_logical3A_39 : vector<16xi32>
    %add3A_41 = arith.constant 64 : i32
    %add3A_42 = vector.broadcast %add3A_41 : i32 to vector<16xi32>
    %add3A_43 = arith.addi %add3A_42, %shift_right_logical3A_40 : vector<16xi32>
    %add3A_44 = arith.constant 32 : i32
    %add3A_45 = vector.broadcast %add3A_44 : i32 to vector<16xi32>
    %add3A_46 = arith.addi %iota3A, %add3A_45 : vector<16xi32>
    %shift_right_logical3A_47 = arith.constant 3 : i32
    %shift_right_logical3A_48 = vector.broadcast %shift_right_logical3A_47 : i32 to vector<16xi32>
    %shift_right_logical3A_49 = arith.shrui %add3A_46, %shift_right_logical3A_48 : vector<16xi32>
    %add3A_50 = arith.constant 64 : i32
    %add3A_51 = vector.broadcast %add3A_50 : i32 to vector<16xi32>
    %add3A_52 = arith.addi %add3A_51, %shift_right_logical3A_49 : vector<16xi32>
    %add3A_53 = arith.constant 48 : i32
    %add3A_54 = vector.broadcast %add3A_53 : i32 to vector<16xi32>
    %add3A_55 = arith.addi %iota3A, %add3A_54 : vector<16xi32>
    %shift_right_logical3A_56 = arith.constant 3 : i32
    %shift_right_logical3A_57 = vector.broadcast %shift_right_logical3A_56 : i32 to vector<16xi32>
    %shift_right_logical3A_58 = arith.shrui %add3A_55, %shift_right_logical3A_57 : vector<16xi32>
    %add3A_59 = arith.constant 64 : i32
    %add3A_60 = vector.broadcast %add3A_59 : i32 to vector<16xi32>
    %add3A_61 = arith.addi %add3A_60, %shift_right_logical3A_58 : vector<16xi32>
    "tpu.region"() ({
      %run_scoped3A = tpu.sem_alloc : memref<!tpu.dma_semaphore, #tpu.memory_space<semaphore_mem>>
      %dma_start3A = arith.constant 0 : i32
      %dma_start3A_73 = arith.constant 0 : i32
      %dma_start3A_74 = tpu.memref_slice %arg4[%add3A, %dma_start3A, %dma_start3A_73] : memref<32x100x100xi32, #tpu.memory_space<hbm>> -> memref<1x100x100xi32, #tpu.memory_space<hbm>>
      %dma_start3A_75 = tpu.memref_squeeze %dma_start3A_74 : memref<1x100x100xi32, #tpu.memory_space<hbm>> -> memref<100x100xi32, #tpu.memory_space<hbm>>
      %dma_start3A_76 = arith.constant 0 : i32
      %dma_start3A_77 = arith.constant 0 : i32
      %dma_start3A_78 = tpu.memref_slice %arg4[%add3A, %dma_start3A_76, %dma_start3A_77] : memref<32x100x100xi32, #tpu.memory_space<hbm>> -> memref<1x100x100xi32, #tpu.memory_space<hbm>>
      %dma_start3A_79 = tpu.memref_squeeze %dma_start3A_78 : memref<1x100x100xi32, #tpu.memory_space<hbm>> -> memref<100x100xi32, #tpu.memory_space<hbm>>
      tpu.enqueue_dma source(%dma_start3A_79 : memref<100x100xi32, #tpu.memory_space<hbm>>) target(%arg9 : memref<100x100xi32, #tpu.memory_space<vmem>>) target_semaphore(%run_scoped3A : memref<!tpu.dma_semaphore, #tpu.memory_space<semaphore_mem>>)
      %dma_wait3A = arith.constant 0 : i32
      %dma_wait3A_80 = arith.constant 0 : i32
      %dma_wait3A_81 = tpu.memref_slice %arg4[%add3A, %dma_wait3A, %dma_wait3A_80] : memref<32x100x100xi32, #tpu.memory_space<hbm>> -> memref<1x100x100xi32, #tpu.memory_space<hbm>>
      %dma_wait3A_82 = tpu.memref_squeeze %dma_wait3A_81 : memref<1x100x100xi32, #tpu.memory_space<hbm>> -> memref<100x100xi32, #tpu.memory_space<hbm>>
      %dma_wait3A_83 = arith.constant 0 : i32
      %dma_wait3A_84 = arith.constant 0 : i32
      %dma_wait3A_85 = tpu.memref_slice %arg4[%add3A, %dma_wait3A_83, %dma_wait3A_84] : memref<32x100x100xi32, #tpu.memory_space<hbm>> -> memref<1x100x100xi32, #tpu.memory_space<hbm>>
      %dma_wait3A_86 = tpu.memref_squeeze %dma_wait3A_85 : memref<1x100x100xi32, #tpu.memory_space<hbm>> -> memref<100x100xi32, #tpu.memory_space<hbm>>
      tpu.wait_dma2 semaphore(%run_scoped3A : memref<!tpu.dma_semaphore, #tpu.memory_space<semaphore_mem>>) src(%dma_wait3A_86 : memref<100x100xi32, #tpu.memory_space<hbm>>) dst(%arg9 : memref<100x100xi32, #tpu.memory_space<vmem>>)
      tpu.yield
    }) : () -> ()
    "tpu.region"() ({
      %run_scoped3A = tpu.sem_alloc : memref<!tpu.dma_semaphore, #tpu.memory_space<semaphore_mem>>
      %dma_start3A = arith.constant 0 : i32
      %dma_start3A_73 = arith.constant 0 : i32
      %dma_start3A_74 = arith.constant 0 : i32
      %dma_start3A_75 = tpu.memref_slice %arg5[%add3A, %dma_start3A, %dma_start3A_73, %dma_start3A_74] : memref<32x100x1x100xi32, #tpu.memory_space<hbm>> -> memref<1x100x1x100xi32, #tpu.memory_space<hbm>>
      %dma_start3A_76 = tpu.memref_squeeze %dma_start3A_75 : memref<1x100x1x100xi32, #tpu.memory_space<hbm>> -> memref<100x1x100xi32, #tpu.memory_space<hbm>>
      %dma_start3A_77 = arith.constant 0 : i32
      %dma_start3A_78 = arith.constant 0 : i32
      %dma_start3A_79 = arith.constant 0 : i32
      %dma_start3A_80 = tpu.memref_slice %arg5[%add3A, %dma_start3A_77, %dma_start3A_78, %dma_start3A_79] : memref<32x100x1x100xi32, #tpu.memory_space<hbm>> -> memref<1x100x1x100xi32, #tpu.memory_space<hbm>>
      %dma_start3A_81 = tpu.memref_squeeze %dma_start3A_80 : memref<1x100x1x100xi32, #tpu.memory_space<hbm>> -> memref<100x1x100xi32, #tpu.memory_space<hbm>>
      tpu.enqueue_dma source(%dma_start3A_81 : memref<100x1x100xi32, #tpu.memory_space<hbm>>) target(%arg10 : memref<100x1x100xi32, #tpu.memory_space<vmem>>) target_semaphore(%run_scoped3A : memref<!tpu.dma_semaphore, #tpu.memory_space<semaphore_mem>>)
      %dma_wait3A = arith.constant 0 : i32
      %dma_wait3A_82 = arith.constant 0 : i32
      %dma_wait3A_83 = arith.constant 0 : i32
      %dma_wait3A_84 = tpu.memref_slice %arg5[%add3A, %dma_wait3A, %dma_wait3A_82, %dma_wait3A_83] : memref<32x100x1x100xi32, #tpu.memory_space<hbm>> -> memref<1x100x1x100xi32, #tpu.memory_space<hbm>>
      %dma_wait3A_85 = tpu.memref_squeeze %dma_wait3A_84 : memref<1x100x1x100xi32, #tpu.memory_space<hbm>> -> memref<100x1x100xi32, #tpu.memory_space<hbm>>
      %dma_wait3A_86 = arith.constant 0 : i32
      %dma_wait3A_87 = arith.constant 0 : i32
      %dma_wait3A_88 = arith.constant 0 : i32
      %dma_wait3A_89 = tpu.memref_slice %arg5[%add3A, %dma_wait3A_86, %dma_wait3A_87, %dma_wait3A_88] : memref<32x100x1x100xi32, #tpu.memory_space<hbm>> -> memref<1x100x1x100xi32, #tpu.memory_space<hbm>>
      %dma_wait3A_90 = tpu.memref_squeeze %dma_wait3A_89 : memref<1x100x1x100xi32, #tpu.memory_space<hbm>> -> memref<100x1x100xi32, #tpu.memory_space<hbm>>
      tpu.wait_dma2 semaphore(%run_scoped3A : memref<!tpu.dma_semaphore, #tpu.memory_space<semaphore_mem>>) src(%dma_wait3A_90 : memref<100x1x100xi32, #tpu.memory_space<hbm>>) dst(%arg10 : memref<100x1x100xi32, #tpu.memory_space<vmem>>)
      tpu.yield
    }) : () -> ()
    %scan3A_62 = arith.constant 0 : i32
    %scan3A_63 = arith.constant 100 : i32
    %scan3A_64 = arith.addi %scan3A_62, %scan3A_63 : i32
    %scan3A_65 = arith.constant 1 : i32
    scf.for %scan3A_73 = %scan3A_62 to %scan3A_64 step %scan3A_65  : i32 {
      %mul3A_74 = arith.constant 1 : i32
      %mul3A_75 = arith.muli %scan3A_73, %mul3A_74 : i32
      %add3A_76 = arith.constant 0 : i32
      %add3A_77 = arith.addi %add3A_76, %mul3A_75 : i32
      "tpu.region"() ({
        %run_scoped3A_84 = tpu.sem_alloc : memref<!tpu.dma_semaphore, #tpu.memory_space<semaphore_mem>>
        %dma_start3A = arith.constant 0 : i32
        %dma_start3A_85 = tpu.memref_slice %arg9[%add3A_77, %dma_start3A] : memref<100x100xi32, #tpu.memory_space<vmem>> -> memref<1x100xi32, #tpu.memory_space<vmem>>
        %dma_start3A_86 = tpu.memref_squeeze %dma_start3A_85 : memref<1x100xi32, #tpu.memory_space<vmem>> -> memref<100xi32, #tpu.memory_space<vmem>>
        %dma_start3A_87 = arith.constant 0 : i32
        %dma_start3A_88 = arith.constant 0 : i32
        %dma_start3A_89 = tpu.memref_slice %arg7[%dma_start3A_87, %dma_start3A_88] : memref<10000x96xbf16, #tpu.memory_space<vmem_shared>> -> memref<10000x96xbf16, #tpu.memory_space<vmem_shared>>
        tpu.enqueue_indirect_dma source(%dma_start3A_89 : memref<10000x96xbf16, #tpu.memory_space<vmem_shared>>) target(%arg11 : memref<100x96xbf16, #tpu.memory_space<vmem>>) offsets(%dma_start3A_86 : memref<100xi32, #tpu.memory_space<vmem>>) semaphore(%run_scoped3A_84 : memref<!tpu.dma_semaphore, #tpu.memory_space<semaphore_mem>>)
        %dma_wait3A = arith.constant 0 : i32
        %dma_wait3A_90 = tpu.memref_slice %arg9[%add3A_77, %dma_wait3A] : memref<100x100xi32, #tpu.memory_space<vmem>> -> memref<1x100xi32, #tpu.memory_space<vmem>>
        %dma_wait3A_91 = tpu.memref_squeeze %dma_wait3A_90 : memref<1x100xi32, #tpu.memory_space<vmem>> -> memref<100xi32, #tpu.memory_space<vmem>>
        %dma_wait3A_92 = arith.constant 0 : i32
        %dma_wait3A_93 = arith.constant 0 : i32
        %dma_wait3A_94 = tpu.memref_slice %arg7[%dma_wait3A_92, %dma_wait3A_93] : memref<10000x96xbf16, #tpu.memory_space<vmem_shared>> -> memref<10000x96xbf16, #tpu.memory_space<vmem_shared>>
        tpu.wait_indirect_dma semaphore(%run_scoped3A_84 : memref<!tpu.dma_semaphore, #tpu.memory_space<semaphore_mem>>) src(%dma_wait3A_94 : memref<10000x96xbf16, #tpu.memory_space<vmem_shared>>) dst(%arg11 : memref<100x96xbf16, #tpu.memory_space<vmem>>)
        tpu.yield
      }) : () -> ()
      %run_scoped3A = arith.constant 0 : i32
      "tpu.region"() ({
        %run_scoped3A_84 = tpu.sem_alloc : memref<!tpu.dma_semaphore, #tpu.memory_space<semaphore_mem>>
        %dma_start3A = arith.constant 0 : i32
        %dma_start3A_85 = tpu.memref_slice %arg10[%add3A_77, %run_scoped3A, %dma_start3A] : memref<100x1x100xi32, #tpu.memory_space<vmem>> -> memref<1x1x100xi32, #tpu.memory_space<vmem>>
        %dma_start3A_86 = tpu.memref_squeeze %dma_start3A_85 : memref<1x1x100xi32, #tpu.memory_space<vmem>> -> memref<100xi32, #tpu.memory_space<vmem>>
        %dma_start3A_87 = arith.constant 0 : i32
        %dma_start3A_88 = arith.constant 0 : i32
        %dma_start3A_89 = tpu.memref_slice %arg3[%dma_start3A_87, %dma_start3A_88] : memref<10000x16xf32, #tpu.memory_space<hbm>> -> memref<10000x16xf32, #tpu.memory_space<hbm>>
        tpu.enqueue_indirect_dma source(%dma_start3A_89 : memref<10000x16xf32, #tpu.memory_space<hbm>>) target(%arg13 : memref<100x16xf32, #tpu.memory_space<vmem>>) offsets(%dma_start3A_86 : memref<100xi32, #tpu.memory_space<vmem>>) semaphore(%run_scoped3A_84 : memref<!tpu.dma_semaphore, #tpu.memory_space<semaphore_mem>>)
        %dma_wait3A = arith.constant 0 : i32
        %dma_wait3A_90 = tpu.memref_slice %arg10[%add3A_77, %run_scoped3A, %dma_wait3A] : memref<100x1x100xi32, #tpu.memory_space<vmem>> -> memref<1x1x100xi32, #tpu.memory_space<vmem>>
        %dma_wait3A_91 = tpu.memref_squeeze %dma_wait3A_90 : memref<1x1x100xi32, #tpu.memory_space<vmem>> -> memref<100xi32, #tpu.memory_space<vmem>>
        %dma_wait3A_92 = arith.constant 0 : i32
        %dma_wait3A_93 = arith.constant 0 : i32
        %dma_wait3A_94 = tpu.memref_slice %arg3[%dma_wait3A_92, %dma_wait3A_93] : memref<10000x16xf32, #tpu.memory_space<hbm>> -> memref<10000x16xf32, #tpu.memory_space<hbm>>
        tpu.wait_indirect_dma semaphore(%run_scoped3A_84 : memref<!tpu.dma_semaphore, #tpu.memory_space<semaphore_mem>>) src(%dma_wait3A_94 : memref<10000x16xf32, #tpu.memory_space<hbm>>) dst(%arg13 : memref<100x16xf32, #tpu.memory_space<vmem>>)
        tpu.yield
      }) : () -> ()
      %scan3A_78 = arith.constant 0 : i32
      %scan3A_79 = arith.constant 100 : i32
      %scan3A_80 = arith.addi %scan3A_78, %scan3A_79 : i32
      %scan3A_81 = arith.constant 1 : i32
      scf.for %scan3A_84 = %scan3A_78 to %scan3A_80 step %scan3A_81  : i32 {
        %mul3A_85 = arith.constant 1 : i32
        %mul3A_86 = arith.muli %scan3A_84, %mul3A_85 : i32
        %add3A_87 = arith.constant 0 : i32
        %add3A_88 = arith.addi %add3A_87, %mul3A_86 : i32
        %get3A = arith.index_cast %add3A_88 : i32 to index
        %get3A_89 = arith.constant 64 : index
        %get3A_90 = tpu.vector_load %arg11[%get3A, %get3A_89] {strides = array<i32>} : memref<100x96xbf16, #tpu.memory_space<vmem>>, vector<32xbf16>,
        %unpack3A = tpu.unpack_subelements %get3A_90, 0 {pack_format = #tpu.pack_format<interleaved>} : vector<32xbf16> -> vector<16xf32>
        %unpack3A_91 = tpu.unpack_subelements %get3A_90, 1 {pack_format = #tpu.pack_format<interleaved>} : vector<32xbf16> -> vector<16xf32>
        %get3A_92 = arith.index_cast %add3A_88 : i32 to index
        %get3A_93 = arith.constant 0 : index
        %get3A_94 = tpu.vector_load %arg13[%get3A_92, %get3A_93] {strides = array<i32>} : memref<100x16xf32, #tpu.memory_space<vmem>>, vector<16xf32>,
        %add3A_95 = arith.addf %unpack3A, %get3A_94 : vector<16xf32>
        %mul3A_96 = arith.constant 2.000000e-01 : f32
        %mul3A_97 = vector.broadcast %mul3A_96 : f32 to vector<16xf32>
        %mul3A_98 = arith.mulf %add3A_95, %mul3A_97 : vector<16xf32>
        %max3A = arith.maximumf %add3A_95, %mul3A_98 : vector<16xf32>
        %exp3A = math.exp %max3A : vector<16xf32>
        %swap3A = arith.index_cast %add3A_88 : i32 to index
        %swap3A_99 = arith.constant 64 : index
        %swap3A_100 = tpu.vector_load %arg12[%swap3A, %swap3A_99] {strides = array<i32>} : memref<100x80xf32, #tpu.memory_space<vmem>>, vector<16xf32>,
        tpu.vector_store %arg12[%swap3A, %swap3A_99], %exp3A {strides = array<i32>} : memref<100x80xf32, #tpu.memory_space<vmem>>, vector<16xf32>,
        %broadcast_in_dim3A_101 = vector.broadcast %add3A_88 : i32 to vector<16xi32>
        %get3A_102 = arith.index_cast %add3A_88 : i32 to index
        %get3A_103 = arith.constant 0 : index
        %get3A_104 = tpu.vector_load %arg11[%get3A_102, %get3A_103] {strides = array<i32>} : memref<100x96xbf16, #tpu.memory_space<vmem>>, vector<32xbf16>,
        %unpack3A_105 = tpu.unpack_subelements %get3A_104, 0 {pack_format = #tpu.pack_format<interleaved>} : vector<32xbf16> -> vector<16xf32>
        %unpack3A_106 = tpu.unpack_subelements %get3A_104, 1 {pack_format = #tpu.pack_format<interleaved>} : vector<32xbf16> -> vector<16xf32>
        %gather3A = tpu.vector_load_idx %arg12[%broadcast_in_dim3A_101, %add3A_34] : memref<100x80xf32, #tpu.memory_space<vmem>>[vector<16xi32>, vector<16xi32>], vector<16xf32>,
        %gather3A_107 = tpu.vector_load_idx %arg12[%broadcast_in_dim3A_101, %add3A_43] : memref<100x80xf32, #tpu.memory_space<vmem>>[vector<16xi32>, vector<16xi32>], vector<16xf32>,
        %mul3A_108 = arith.mulf %unpack3A_105, %gather3A : vector<16xf32>
        %swap3A_109 = arith.index_cast %add3A_88 : i32 to index
        %swap3A_110 = arith.constant 0 : index
        %swap3A_111 = tpu.vector_load %arg12[%swap3A_109, %swap3A_110] {strides = array<i32>} : memref<100x80xf32, #tpu.memory_space<vmem>>, vector<16xf32>,
        tpu.vector_store %arg12[%swap3A_109, %swap3A_110], %mul3A_108 {strides = array<i32>} : memref<100x80xf32, #tpu.memory_space<vmem>>, vector<16xf32>,
        %mul3A_112 = arith.mulf %unpack3A_106, %gather3A_107 : vector<16xf32>
        %swap3A_113 = arith.index_cast %add3A_88 : i32 to index
        %swap3A_114 = arith.constant 16 : index
        %swap3A_115 = tpu.vector_load %arg12[%swap3A_113, %swap3A_114] {strides = array<i32>} : memref<100x80xf32, #tpu.memory_space<vmem>>, vector<16xf32>,
        tpu.vector_store %arg12[%swap3A_113, %swap3A_114], %mul3A_112 {strides = array<i32>} : memref<100x80xf32, #tpu.memory_space<vmem>>, vector<16xf32>,
        %get3A_116 = arith.index_cast %add3A_88 : i32 to index
        %get3A_117 = arith.constant 32 : index
        %get3A_118 = tpu.vector_load %arg11[%get3A_116, %get3A_117] {strides = array<i32>} : memref<100x96xbf16, #tpu.memory_space<vmem>>, vector<32xbf16>,
        %unpack3A_119 = tpu.unpack_subelements %get3A_118, 0 {pack_format = #tpu.pack_format<interleaved>} : vector<32xbf16> -> vector<16xf32>
        %unpack3A_120 = tpu.unpack_subelements %get3A_118, 1 {pack_format = #tpu.pack_format<interleaved>} : vector<32xbf16> -> vector<16xf32>
        %gather3A_121 = tpu.vector_load_idx %arg12[%broadcast_in_dim3A_101, %add3A_52] : memref<100x80xf32, #tpu.memory_space<vmem>>[vector<16xi32>, vector<16xi32>], vector<16xf32>,
        %gather3A_122 = tpu.vector_load_idx %arg12[%broadcast_in_dim3A_101, %add3A_61] : memref<100x80xf32, #tpu.memory_space<vmem>>[vector<16xi32>, vector<16xi32>], vector<16xf32>,
        %mul3A_123 = arith.mulf %unpack3A_119, %gather3A_121 : vector<16xf32>
        %swap3A_124 = arith.index_cast %add3A_88 : i32 to index
        %swap3A_125 = arith.constant 32 : index
        %swap3A_126 = tpu.vector_load %arg12[%swap3A_124, %swap3A_125] {strides = array<i32>} : memref<100x80xf32, #tpu.memory_space<vmem>>, vector<16xf32>,
        tpu.vector_store %arg12[%swap3A_124, %swap3A_125], %mul3A_123 {strides = array<i32>} : memref<100x80xf32, #tpu.memory_space<vmem>>, vector<16xf32>,
        %mul3A_127 = arith.mulf %unpack3A_120, %gather3A_122 : vector<16xf32>
        %swap3A_128 = arith.index_cast %add3A_88 : i32 to index
        %swap3A_129 = arith.constant 48 : index
        %swap3A_130 = tpu.vector_load %arg12[%swap3A_128, %swap3A_129] {strides = array<i32>} : memref<100x80xf32, #tpu.memory_space<vmem>>, vector<16xf32>,
        tpu.vector_store %arg12[%swap3A_128, %swap3A_129], %mul3A_127 {strides = array<i32>} : memref<100x80xf32, #tpu.memory_space<vmem>>, vector<16xf32>,
      }
      %scan3A_82 = arith.constant 100 : i32
      %run_scoped3A_83 = arith.constant 0 : i32
      "tpu.region"() ({
        %run_scoped3A_84 = tpu.sem_alloc : memref<!tpu.dma_semaphore, #tpu.memory_space<semaphore_mem>>
        %dma_start3A = arith.constant 0 : i32
        %dma_start3A_85 = tpu.memref_slice %arg10[%add3A_77, %run_scoped3A_83, %dma_start3A] : memref<100x1x100xi32, #tpu.memory_space<vmem>> -> memref<1x1x100xi32, #tpu.memory_space<vmem>>
        %dma_start3A_86 = tpu.memref_squeeze %dma_start3A_85 : memref<1x1x100xi32, #tpu.memory_space<vmem>> -> memref<100xi32, #tpu.memory_space<vmem>>
        %dma_start3A_87 = arith.constant 0 : i32
        %dma_start3A_88 = arith.constant 0 : i32
        %dma_start3A_89 = tpu.memref_slice %arg8[%dma_start3A_87, %dma_start3A_88] : memref<10000x80xf32, #tpu.memory_space<vmem_shared>> -> memref<10000x80xf32, #tpu.memory_space<vmem_shared>>
        tpu.enqueue_indirect_dma source(%arg12 : memref<100x80xf32, #tpu.memory_space<vmem>>) target(%dma_start3A_89 : memref<10000x80xf32, #tpu.memory_space<vmem_shared>>) offsets(%dma_start3A_86 : memref<100xi32, #tpu.memory_space<vmem>>) semaphore(%run_scoped3A_84 : memref<!tpu.dma_semaphore, #tpu.memory_space<semaphore_mem>>) {add = true}
        %dma_wait3A = arith.constant 0 : i32
        %dma_wait3A_90 = tpu.memref_slice %arg10[%add3A_77, %run_scoped3A_83, %dma_wait3A] : memref<100x1x100xi32, #tpu.memory_space<vmem>> -> memref<1x1x100xi32, #tpu.memory_space<vmem>>
        %dma_wait3A_91 = tpu.memref_squeeze %dma_wait3A_90 : memref<1x1x100xi32, #tpu.memory_space<vmem>> -> memref<100xi32, #tpu.memory_space<vmem>>
        %dma_wait3A_92 = arith.constant 0 : i32
        %dma_wait3A_93 = arith.constant 0 : i32
        %dma_wait3A_94 = tpu.memref_slice %arg8[%dma_wait3A_92, %dma_wait3A_93] : memref<10000x80xf32, #tpu.memory_space<vmem_shared>> -> memref<10000x80xf32, #tpu.memory_space<vmem_shared>>
        tpu.wait_indirect_dma semaphore(%run_scoped3A_84 : memref<!tpu.dma_semaphore, #tpu.memory_space<semaphore_mem>>) src(%arg12 : memref<100x80xf32, #tpu.memory_space<vmem>>) dst(%dma_wait3A_94 : memref<10000x80xf32, #tpu.memory_space<vmem_shared>>)
        tpu.yield
      }) : () -> ()
    }
    %scan3A_66 = arith.constant 100 : i32
    %barrier3A_67 = arith.constant 0 : index
    tpu.barrier barrier_id(%barrier3A_67)
    %scan3A_68 = arith.constant 0 : i32
    %scan3A_69 = arith.constant 40 : i32
    %scan3A_70 = arith.addi %scan3A_68, %scan3A_69 : i32
    %scan3A_71 = arith.constant 1 : i32
    scf.for %scan3A_73 = %scan3A_68 to %scan3A_70 step %scan3A_71  : i32 {
      %mul3A_74 = arith.constant 1 : i32
      %mul3A_75 = arith.muli %scan3A_73, %mul3A_74 : i32
      %add3A_76 = arith.constant 0 : i32
      %add3A_77 = arith.addi %add3A_76, %mul3A_75 : i32
      %mul3A_78 = arith.constant 16 : i32
      %mul3A_79 = arith.muli %add3A_77, %mul3A_78 : i32
      %add3A_80 = arith.addi %mul3A_79, %arg1 : i32
      %lt3A = arith.constant 625 : i32
      %lt3A_81 = arith.cmpi slt, %add3A_80, %lt3A : i32
      %convert_element_type3A = arith.extui %lt3A_81 : i1 to i32
      %cond3A = arith.constant 0 : i32
      %cond3A_82 = arith.cmpi ne, %convert_element_type3A, %cond3A : i32
      scf.if %cond3A_82 {
        %mul3A_83 = arith.constant 16 : i32
        %mul3A_84 = arith.muli %add3A_80, %mul3A_83 : i32
        "tpu.region"() ({
          %run_scoped3A = tpu.sem_alloc : memref<!tpu.dma_semaphore, #tpu.memory_space<semaphore_mem>>
          %dma_start3A = arith.constant 0 : i32
          %dma_start3A_85 = tpu.memref_slice %arg6[%arg0, %mul3A_84, %dma_start3A] : memref<2x10000x80xf32, #tpu.memory_space<hbm>> -> memref<1x16x80xf32, #tpu.memory_space<hbm>>
          %dma_start3A_86 = tpu.memref_squeeze %dma_start3A_85 : memref<1x16x80xf32, #tpu.memory_space<hbm>> -> memref<16x80xf32, #tpu.memory_space<hbm>>
          %dma_start3A_87 = arith.constant 0 : i32
          %dma_start3A_88 = tpu.memref_slice %arg8[%mul3A_84, %dma_start3A_87] : memref<10000x80xf32, #tpu.memory_space<vmem_shared>> -> memref<16x80xf32, #tpu.memory_space<vmem_shared>>
          tpu.enqueue_dma source(%dma_start3A_88 : memref<16x80xf32, #tpu.memory_space<vmem_shared>>) target(%dma_start3A_86 : memref<16x80xf32, #tpu.memory_space<hbm>>) target_semaphore(%run_scoped3A : memref<!tpu.dma_semaphore, #tpu.memory_space<semaphore_mem>>)
          %dma_wait3A = arith.constant 0 : i32
          %dma_wait3A_89 = tpu.memref_slice %arg6[%arg0, %mul3A_84, %dma_wait3A] : memref<2x10000x80xf32, #tpu.memory_space<hbm>> -> memref<1x16x80xf32, #tpu.memory_space<hbm>>
          %dma_wait3A_90 = tpu.memref_squeeze %dma_wait3A_89 : memref<1x16x80xf32, #tpu.memory_space<hbm>> -> memref<16x80xf32, #tpu.memory_space<hbm>>
          %dma_wait3A_91 = arith.constant 0 : i32
          %dma_wait3A_92 = tpu.memref_slice %arg8[%mul3A_84, %dma_wait3A_91] : memref<10000x80xf32, #tpu.memory_space<vmem_shared>> -> memref<16x80xf32, #tpu.memory_space<vmem_shared>>
          tpu.wait_dma2 semaphore(%run_scoped3A : memref<!tpu.dma_semaphore, #tpu.memory_space<semaphore_mem>>) src(%dma_wait3A_92 : memref<16x80xf32, #tpu.memory_space<vmem_shared>>) dst(%dma_wait3A_90 : memref<16x80xf32, #tpu.memory_space<hbm>>)
          tpu.yield
        }) : () -> ()
      } else {
      }
    }
    %scan3A_72 = arith.constant 40 : i32
    return
  }
}

</mosaic_0001>

<sc_bundles>
// kernel: _sc_edge_pass.3.cloned.1.call-start
scs
__scs_entry_jumppad:
0x0: {  	(pc) =	sbr.rel $0x88, $3  }
0x1: {  	(tag) =	ssettag $0x0;
	lr =	simm.s32 $0x1  }
0x2: {  	[smem:$0x3F9D] =	sst lr;
	_ =	strace $0xD0000000  }
0x3: {  	_ = 	snop  }
0x4: {  	_ = 	snop  }
0x5: {  	_ = 	snop  }
0x6: {  	_ = 	snop  }
0x7: {  	_ = 	snop  }
__scs_overlays_trampoline_lowered:
0x8: {  	[smem:$0x3FAC] =	sst s0  }
0x9: {  	[smem:$0x3FAD] =	sst s1  }
0xa: {  	[smem:$0x3FAE] =	sst s2  }
0xb: {  	[smem:$0x3FAF] =	sst s3  }
0xc: {  	[smem:$0x3FB0] =	sst s4  }
0xd: {  	[smem:$0x3FB1] =	sst s5  }
0xe: {  	[smem:$0x3FB2] =	sst s6  }
0xf: {  	[smem:$0x3FB3] =	sst s7  }
0x10: {  	[smem:$0x3FB4] =	sst s8  }
0x11: {  	[smem:$0x3FB5] =	sst s9;
	s0 =	simm.s32 @!p0 $0x0  }
0x12: {  	s1 =	sld [smem:$0x3F9B];
	s0 =	simm.s32 @p0 $0x1  }
0x13: {  	[smem:$0x3FB6] =	sst s0;
	s0 =	simm.s32 @!p1 $0x0  }
0x14: {  	s2 =	sld [smem:$0x3F9A];
	s0 =	simm.s32 @p1 $0x1  }
0x15: {  	[smem:$0x3FB7] =	sst s0;
	s0 =	simm.s32 @!p2 $0x0  }
0x16: {  	s3 =	sld [smem:$0x3FDB];
	s0 =	simm.s32 @p2 $0x1  }
0x17: {  	s4 =	simm.s32 $0x1BF5;
	[smem:$0x3FB9] =	sst s0  }
0x18: {  	s0 =	sld [smem:$0x3F9C];
	_ =	swait.ge [sflag:s4], $0x0  }
0x19: {  	s7 =	sld [smem:$0x3F9D]  }
0x1a: {  	s8 =	sadd.s32 $0xFFFFE003, lr  }
0x1b: {  	s9 =	sadd.s32 $0xFFFFFEF7, lr;
	s5 =	simm.s32 $0xFFFFFFFF;
	p2 =	slt.u32 s8, $0xFFFFF086  }
0x1c: {  	p1 =	slt.u32 s9, $0xF7A;
	s5 =	simm.s32 @!p2 $0x0  }
0x1d: {  	s5 =	simm.s32 @p1 $0x1;
	p0 =	seq.s32 s7, s2  }
0x1e: {  	s7 =	smul.u32 @!p0 $0xF7A, s2;
	p2 =	seq.s32 @!p0 s5, $0x0  }
0x1f: {  	s9 =	smul.u32 $0xF7A, s1;
	s8 =	simm.s32 @!p0 $0x1BF5;
	p2 =	por !p2, p0  }
0x20: {  	[sflag:s8] =	ssyncset.s32 @!p0 $0xFFFFF086;
	s6 =	sadd.s32 @!p0 s3, s7;
	s7 =	simm.s32 @!p0 $0x108  }
0x21: {  	s3 =	sadd.s32 s3, s9;
	s6 =	sadd.s32 @!p0 $0x88, s6;
	s7 =	simm.s32 @p2 $0x1082  }
0x22: {  	[simem:s7], [sflag:s8] =	dma.local @!p0 [hbm:s6], $0xF7A  }
0x23: {  	s9 =	sor.u32 $0xD0000000, s2;
	s6 =	simm.s32 $0x108;
	_ =	swait.ge @!p0 [sflag:s8], $0x0  }
0x24: {  	s3 =	sadd.s32 $0x88, s3;
	s6 =	simm.s32 @!p1 $0x1082;
	[sflag:s4] =	ssyncset.s32 $0xFFFFF086  }
0x25: {  	[simem:s6], [sflag:s4] =	dma.local [hbm:s3], $0xF7A  }
0x26: {  	[smem:$0x3F9D] =	sst s1;
	(tag) =	ssettag s2;
	_ =	strace s9  }
0x27: {  	s1 =	sld [smem:$0x3FAD]  }
0x28: {  	s2 =	sld [smem:$0x3FAE]  }
0x29: {  	s4 =	sld [smem:$0x3FB0]  }
0x2a: {  	p0 =	seq.s32 s5, $0x0;
	s5 =	sld [smem:$0x3FB1]  }
0x2b: {  	s6 =	sld [smem:$0x3FB2]  }
0x2c: {  	s7 =	sld [smem:$0x3FB3]  }
0x2d: {  	s3 =	simm.s32 $0x108;
	s8 =	sld [smem:$0x3FB4]  }
0x2e: {  	s3 =	simm.s32 @!p0 $0x1082;
	s9 =	sld [smem:$0x3FB5]  }
0x2f: {  	lr =	sadd.s32 s0, s3;
	s0 =	sld [smem:$0x3FAC]  }
0x30: {  	s3 =	sld [smem:$0x3FAF]  }
0x31: {  	[smem:$0x3FB8] =	sst s10  }
0x32: {  	s10 =	sld [smem:$0x3FB6];
	_ =	sdelay $0x3  }
0x33: {  	p0 =	seq.s32 s10, $0x1;
	s10 =	sld [smem:$0x3FB8];
	_ =	sdelay $0x3  }
0x34: {  	[smem:$0x3FB8] =	sst s10  }
0x35: {  	s10 =	sld [smem:$0x3FB7];
	_ =	sdelay $0x3  }
0x36: {  	p1 =	seq.s32 s10, $0x1;
	s10 =	sld [smem:$0x3FB8];
	_ =	sdelay $0x3  }
0x37: {  	[smem:$0x3FB8] =	sst s10  }
0x38: {  	s10 =	sld [smem:$0x3FB9]  }
0x39: {  	_ = 	snop;
	(pc) =	sbr.ind lr, $3  }
0x3a: {  	_ = 	snop  }
0x3b: {  	_ = 	snop  }
0x3c: {  	p2 =	seq.s32 s10, $0x1;
	s10 =	sld [smem:$0x3FB8]  }
0x3d: {  	_ =	shalt  }
0x3e: {  	_ =	shalt  }
0x3f: {  	_ =	shalt  }
0x40: {  	_ =	shalt  }
0x41: {  	_ =	shalt  }
0x42: {  	_ =	shalt  }
0x43: {  	_ =	shalt  }
0x44: {  	_ =	shalt  }
0x45: {  	_ =	shalt  }
0x46: {  	_ =	shalt  }
0x47: {  	_ =	shalt  }
0x48: {  	_ =	shalt  }
0x49: {  	_ =	shalt  }
0x4a: {  	_ =	shalt  }
0x4b: {  	_ =	shalt  }
0x4c: {  	_ =	shalt  }
0x4d: {  	_ =	shalt  }
0x4e: {  	_ =	shalt  }
0x4f: {  	_ =	shalt  }
0x50: {  	_ =	shalt  }
0x51: {  	_ =	shalt  }
0x52: {  	_ =	shalt  }
0x53: {  	_ =	shalt  }
0x54: {  	_ =	shalt  }
0x55: {  	_ =	shalt  }
0x56: {  	_ =	shalt  }
0x57: {  	_ =	shalt  }
0x58: {  	_ =	shalt  }
0x59: {  	_ =	shalt  }
0x5a: {  	_ =	shalt  }
0x5b: {  	_ =	shalt  }
0x5c: {  	_ =	shalt  }
0x5d: {  	_ =	shalt  }
0x5e: {  	_ =	shalt  }
0x5f: {  	_ =	shalt  }
0x60: {  	_ =	shalt  }
0x61: {  	_ =	shalt  }
0x62: {  	_ =	shalt  }
0x63: {  	_ =	shalt  }
0x64: {  	_ =	shalt  }
0x65: {  	_ =	shalt  }
0x66: {  	_ =	shalt  }
0x67: {  	_ =	shalt  }
0x68: {  	_ =	shalt  }
0x69: {  	_ =	shalt  }
0x6a: {  	_ =	shalt  }
0x6b: {  	_ =	shalt  }
0x6c: {  	_ =	shalt  }
0x6d: {  	_ =	shalt  }
0x6e: {  	_ =	shalt  }
0x6f: {  	_ =	shalt  }
0x70: {  	_ =	shalt  }
0x71: {  	_ =	shalt  }
0x72: {  	_ =	shalt  }
0x73: {  	_ =	shalt  }
0x74: {  	_ =	shalt  }
0x75: {  	_ =	shalt  }
0x76: {  	_ =	shalt  }
0x77: {  	_ =	shalt  }
0x78: {  	_ =	shalt  }
0x79: {  	_ =	shalt  }
0x7a: {  	_ =	shalt  }
0x7b: {  	_ =	shalt  }
0x7c: {  	_ =	shalt  }
0x7d: {  	_ =	shalt  }
0x7e: {  	_ =	shalt  }
0x7f: {  	_ =	shalt  }
0x80: {  	_ =	shalt  }
0x81: {  	_ =	shalt  }
0x82: {  	_ =	shalt  }
0x83: {  	_ =	shalt  }
0x84: {  	_ =	shalt  }
0x85: {  	_ =	shalt  }
0x86: {  	_ =	shalt  }
0x87: {  	_ =	shalt  }
.Lfunc_end0:
.L_simem_size_0:
called_computation_lowered:
.L_overlay_start_0:
0x88: {  	s2 =	sld [smem:$0x3FD9]  }
0x89: {  	s3 =	sld [smem:$0x3FFE];
	_ =	sdelay $0x1  }
0x8a: {  	s1 =	srdreg.scid  }
0x8b: {  	s0 =	sand.u32 $0x1, s1  }
0x8c: {  	s17 =	sshll.u32 s0, $0xA;
	s2 =	sadd.s32 s3, s2  }
0x8d: {  	s2 =	sadd.s32 s2, s17  }
0x8e: {  	[smem:$0x3FC4] =	sst s2  }
0x8f: {  	_ = 	snop  }
0x90: {  	s2 =	sld [smem:$0x3FD0];
	(tm) =	ssettm $0x1  }
0x91: {  	s18 =	sld [smem:$0x3FFB];
	_ =	sdelay $0x3  }
0x92: {  	_ =	strace s18  }
0x93: {  	s3 =	sld [smem:$0x3FFC];
	_ =	sdelay $0x3  }
0x94: {  	_ =	strace s3  }
0x95: {  	s3 =	sld [smem:$0x3FFD];
	_ =	sdelay $0x3  }
0x96: {  	_ =	strace s3  }
0x97: {  	_ =	strace $0x8FFFFFFF  }
0x98: {  	s19 =	sld [smem:$0x3FDB];
	_ =	sdelay $0x1  }
0x99: {  	s4 =	simm.s32 $_scs_section_size  }
0x9a: {  	s5 =	simm.s32 $_size__tile_overlayer_lowered;
	s6 =	simm.s32 $_tile_overlayer_lowered  }
0x9b: {  	s22 =	simm.s32 $0x1BFF;
	s21 =	sshll.u32 s6, $0x1;
	s3 =	sadd.s32 s4, s19  }
0x9c: {  	s7 =	simm.s32 $0x0;
	s20 =	sshll.u32 s5, $0x1;
	s5 =	sadd.s32 s21, s3  }
0x9d: {  	[timem:s7], [sflag:s22] =	dma.local [hbm:s5], s20  }
0x9e: {  	_ =	swait.ge [sflag:s22], s20  }
0x9f: {  	s4 =	ssub.s32 $0x0, s20;
	[sflag:s22] =	ssyncset.done $0x0  }
0xa0: {  	[sflag:s22] =	ssyncadd.s32 s4;
	_ =	sdelay $0x1  }
0xa1: {  	s23 =	simm.s32 $0x1B8B  }
0xa2: {  	_ =	swait.ge [sflag:s23], $0x1  }
0xa3: {  	[sflag:s23] =	ssyncset.done $0x0  }
0xa4: {  	s25 =	simm.s32 $0x1B8E;
	s24 =	sld [smem:$0x3FFE];
	[sflag:s23] =	ssyncadd.s32 $0xFFFFFFFF  }
0xa5: {  	s26 =	simm.s32 $execute0_lowered;
	[smem:$0x3FD2] =	sst s25  }
0xa6: {  	s5 =	sshll.u32 s26, $0x1;
	_ =	strace $0x80000046;
	[dreg:$0x1] =	wrdreg $0xFFFFFFFF  }
0xa7: {  	s28 =	simm.s32 $_size_execute0_lowered;
	s3 =	sadd.s32 s3, s5;
	[dreg:$0x0] =	wrdreg $0x0  }
0xa8: {  	s5 =	sshll.u32 s28, $0x1;
	[dreg:$0x2] =	wrdreg s3  }
0xa9: {  	[dreg:$0x3] =	wrdreg s5  }
0xaa: {  	[dreg:$0x4] =	wrdreg $0xC0  }
0xab: {  	_ =	task [dreg:s7], $0x5FFFF  }
0xac: {  	[dreg:$0x1] =	wrdreg $0xFFFFFFFF  }
0xad: {  	[dreg:$0x0] =	wrdreg $0x60  }
0xae: {  	[dreg:$0x2] =	wrdreg s24  }
0xaf: {  	[dreg:$0x3] =	wrdreg s2  }
0xb0: {  	[dreg:$0x4] =	wrdreg $0x75300  }
0xb1: {  	[dreg:$0x5] =	wrdreg $0x0  }
0xb2: {  	[dreg:$0x6] =	wrdreg $0x9  }
0xb3: {  	_ =	task.clear_ibuf [dreg:s7], $0x7FFFF;
	_ =	strace $0x90000046  }
0xb4: {  	s29 =	simm.s32 $0x9;
	_ =	strace $0x80000048  }
0xb5: {  	_ =	swait.ge [sflag:s29], $0x1  }
0xb6: {  	[sflag:s29] =	ssyncadd.s32 $0xFFFFFFFF  }
0xb7: {  	_ =	strace $0x90000048  }
0xb8: {  	_ =	sfence  }
0xb9: {  	s30 =	sld [smem:$0x0];
	_ =	sdelay $0x2  }
0xba: {  	s31 =	sshll.u32 s1, $0xD;
	s1 =	sshrl.u32 s1, $0x2  }
0xbb: {  	s3 =	sand.u32 $0x4000, s31;
	s1 =	sadd.s32 s1, s30  }
0xbc: {  	s0 =	sor.u32 s3, s0;
	s1 =	sshll.u32 s1, $0x11  }
0xbd: {  	s0 =	sor.u32 s1, s0  }
0xbe: {  	s0 =	sadd.s32 $0x8F2B, s0  }
0xbf: {  	[sflag:s0] =	ssyncadd.remote.s32 $0x1  }
0xc0: {  	_ =	sfence.sel $0xFFFF  }
0xc1: {  	[dreg:$0x0] =	wrdreg $0xFFFFFFFF;
	(pc) =	sbr.abs _section_cstart, $3  }
0xc2: {  	[dreg:$0x1] =	wrdreg $0xFFFFFFFF  }
0xc3: {  	_ =	task.clear_ibuf [dreg:s7], $0x2FFFF;
	_ =	strace $0x9FFFFFFF  }
0xc4: {  	(tm) =	ssettm $0x7FFFFFFF  }
0xc5: {  	_ =	shalt  }
tec
execute0_lowered:
.L_overlay_start_1:
0x0: {  	(tag) =	ssettag $0x1  }
0x1: {  	s0 =	rddreg [dreg:$0x0]  }
0x2: {  	s18 =	rddreg [dreg:$0x1]  }
0x3: {  	s1 =	rddreg [dreg:$0x2];
	s2 =	stileid.u32  }
0x4: {  	s3 =	rddreg [dreg:$0x3];
	s4 =	simm.s32 $0x0;
	s6 =	smul.u32 $0x60, s2  }
0x5: {  	s5 =	srdreg.scid;
	s21 =	simm.s32 $0x1;
	s7 =	smul.u32 $0x30D40, s2  }
0x6: {  	s24 =	simm.s32 $0x64;
	s25 =	simm.s32 $0x189C0;
	s19 =	smul.u32 $0xC00, s2  }
0x7: {  	[smem:$0x7FF] =	sst s4;
	s9 =	sand.u32 $0x1, s5;
	s20 =	smul.u32 $0x500, s2  }
0x8: {  	s28 =	sshll.u32 s2, $0x1;
	s30 =	smul.u32 $0x1400, s2;
	_ =	strace $0x80000047  }
0x9: {  	s5 =	sor.u32 s9, s28;
	s8 =	ssub.s32 $0x2, s9;
	s16 =	smul.u32 $0xC3500, s9  }
0xa: {  	s17 =	sadd.s32 s6, s0;
	s29 =	smul.u32 $0x514, s5;
	s5 =	sadd.s32 $0x23A00, s0  }
0xb: {  	s10 =	sshrl.u32 s8, $0x1;
	s7 =	sshrl.u32 s7, $0x2;
	s19 =	sshrl.u32 s19, $0x2  }
0xc: {  	s15 =	ssub.s32 s8, s10;
	s6 =	sadd.s32 s7, s1;
	s20 =	sadd.s32 s20, s16  }
0xd: {  	s16 =	sadd.s32 s19, s3;
	s17 =	sadd.s32 $0x14E00, s17;
	s0 =	sadd.s32 s29, s0  }
0xe: {  	s7 =	sadd.s32 $0x1F40, s6;
	s8 =	sadd.s32 $0x3E80, s6;
	s9 =	sadd.s32 $0x5DC0, s6  }
0xf: {  	s10 =	sadd.s32 $0x7D00, s6;
	s11 =	sadd.s32 $0x9C40, s6;
	s12 =	sadd.s32 $0xBB80, s6  }
0x10: {  	v1 =	vlaneseq.u32;
	s15 =	smax.u32 s15, $0x1;
	s31 =	sshrl.u32 s20, $0x3;
	s20 =	simm.s32 $0x19C80  }
0x11: {  	v0 =	vimm.f32 $0.0e+00;
	v1 =	vshrl.u32 v1, $0x3;
	s13 =	sadd.s32 $0xAA00, s0;
	s14 =	sadd.s32 $0x600, s0;
	s0 =	sshrl.u32 s30, $0x2  }
0x12: {  	v2 =	vor.u32 $0x2, v1;
	v3 =	vor.u32 $0x4, v1;
	v4 =	vor.u32 $0x6, v1;
	[dreg:$0x5] =	wrdreg s7;
	s18 =	sadd.s32 s31, s18;
	s19 =	sadd.s32 s0, s1  }
.LBB2_1:
0x13: {  	s22 =	simm.s32 $0x140;
	s0 =	simm.s32 $0x0  }
.LBB2_2:
0x14: {  	p0 =	sne.s32 s22, $0x7BC0;
	[tilespmem:s0+$0x19CC0] =	vst v0;
	s23 =	smov.u32 s22;
	s22 =	sadd.s32 $0x140, s22  }
.Ltmp0:
0x15: {  	[tilespmem:s0+$0x19CB0] =	vst v0;
	(pc) =	sbr.rel @p0 .LBB2_2-.Ltmp0, $4  }
0x16: {  	[tilespmem:s0+$0x19CA0] =	vst v0  }
0x17: {  	[tilespmem:s0+$0x19C80] =	vst v0  }
0x18: {  	[tilespmem:s0+$0x19C90] =	vst v0  }
0x19: {  	s0 =	sshra.s32 s23, $0x2  }
0x1a: {  	[tilespmem:s0+$0x19CC0] =	vst v0  }
0x1b: {  	[tilespmem:s0+$0x19CB0] =	vst v0  }
0x1c: {  	[tilespmem:s0+$0x19CA0] =	vst v0  }
0x1d: {  	[tilespmem:s0+$0x19C80] =	vst v0  }
0x1e: {  	[tilespmem:s0+$0x19C90] =	vst v0  }
0x1f: {  	[spmem:s6] =	stream.linear.scatter [tilespmem:s20], [sflag:$0x1], $0x1F40, $0x38;
	[tilespmem:$0x1C200] =	vst v63  }
0x20: {  	_ =	swait.ge [sflag:s21], $0x1F40  }
0x21: {  	[sflag:s21] =	ssyncset.done $0x0  }
0x22: {  	s30 =	rddreg [dreg:$0x5];
	[sflag:s21] =	ssyncadd.s32 $0xFFFFE0C0  }
0x23: {  	[spmem:s30] =	stream.linear.scatter [tilespmem:s20], [sflag:$0x1], $0x1F40, $0x38;
	[tilespmem:$0x1C200] =	vst v63  }
0x24: {  	_ =	swait.ge [sflag:s21], $0x1F40  }
0x25: {  	[sflag:s21] =	ssyncset.done $0x0  }
0x26: {  	[sflag:s21] =	ssyncadd.s32 $0xFFFFE0C0  }
0x27: {  	[spmem:s8] =	stream.linear.scatter [tilespmem:s20], [sflag:$0x1], $0x1F40, $0x38;
	[tilespmem:$0x1C200] =	vst v63  }
0x28: {  	_ =	swait.ge [sflag:s21], $0x1F40  }
0x29: {  	[sflag:s21] =	ssyncset.done $0x0  }
0x2a: {  	[sflag:s21] =	ssyncadd.s32 $0xFFFFE0C0  }
0x2b: {  	[spmem:s9] =	stream.linear.scatter [tilespmem:s20], [sflag:$0x1], $0x1F40, $0x38;
	[tilespmem:$0x1C200] =	vst v63  }
0x2c: {  	_ =	swait.ge [sflag:s21], $0x1F40  }
0x2d: {  	[sflag:s21] =	ssyncset.done $0x0  }
0x2e: {  	[sflag:s21] =	ssyncadd.s32 $0xFFFFE0C0  }
0x2f: {  	[spmem:s10] =	stream.linear.scatter [tilespmem:s20], [sflag:$0x1], $0x1F40, $0x38;
	[tilespmem:$0x1C200] =	vst v63  }
0x30: {  	_ =	swait.ge [sflag:s21], $0x1F40  }
0x31: {  	[sflag:s21] =	ssyncset.done $0x0  }
0x32: {  	[sflag:s21] =	ssyncadd.s32 $0xFFFFE0C0  }
0x33: {  	[spmem:s11] =	stream.linear.scatter [tilespmem:s20], [sflag:$0x1], $0x1F40, $0x38;
	[tilespmem:$0x1C200] =	vst v63  }
0x34: {  	_ =	swait.ge [sflag:s21], $0x1F40  }
0x35: {  	[sflag:s21] =	ssyncset.done $0x0  }
0x36: {  	s31 =	sadd.s32 $0x0, s2;
	[sflag:s21] =	ssyncadd.s32 $0xFFFFE0C0  }
0x37: {  	[spmem:s12] =	stream.linear.scatter [tilespmem:s20], [sflag:$0x1], $0x7D0, $0x38;
	[tilespmem:$0x1C200] =	vst v63  }
0x38: {  	p0 =	sgt.u32 s31, $0x270;
	_ =	swait.ge [sflag:s21], $0x7D0  }
0x39: {  	s0 =	sshll.u32 @!p0 s2, $0x6;
	s22 =	sshrl.u32 @!p0 s16, $0x3;
	[sflag:s21] =	ssyncset.done $0x0  }
0x3a: {  	s26 =	simm.s32 @!p0 $0x1;
	s0 =	sor.u32 @!p0 $0x1C01, s0;
	[sflag:s21] =	ssyncadd.s32 $0xFFFFF830  }
0x3b: {  	[spmem:s22], [sflag:s0] =	dma.local @!p0 [hbm:s17], $0x60  }
0x3c: {  	s28 =	sadd.s32 $0x10, s2;
	s23 =	sadd.s32 $0x3000, s16;
	_ =	swait.ge @!p0 [sflag:s26], $0x60  }
0x3d: {  	s22 =	simm.s32 $0x20;
	s0 =	sadd.s32 $0x600, s17;
	[sflag:s26] =	ssyncset.done @!p0 $0x0  }
.LBB2_4:
0x3e: {  	[sflag:s26] =	ssyncadd.s32 @!p0 $0xFFFFFFA0  }
0x3f: {  	p0 =	sgt.u32 s28, $0x270;
	s28 =	smov.u32 s22;
	s22 =	sadd.s32 $0x10, s22  }
0x40: {  	p1 =	sne.s32 s22, $0x280  }
.Ltmp1:
0x41: {  	s26 =	sshll.u32 @!p0 s2, $0x6;
	s29 =	sshrl.u32 @!p0 s23, $0x3;
	(pc) =	sbr.rel @p1 .LBB2_4-.Ltmp1, $4  }
0x42: {  	s30 =	sor.u32 @!p0 $0x1C01, s26;
	s26 =	simm.s32 @!p0 $0x1  }
0x43: {  	[spmem:s29], [sflag:s30] =	dma.local @!p0 [hbm:s0], $0x60  }
0x44: {  	s0 =	sadd.s32 $0x600, s0;
	_ =	swait.ge @!p0 [sflag:s26], $0x60  }
0x45: {  	s28 =	sadd.s32 s28, s2;
	s23 =	sadd.s32 $0x3000, s23;
	[sflag:s26] =	ssyncset.done @!p0 $0x0  }
0x46: {  	p1 =	sgt.u32 s28, $0x270  }
0x47: {  	[sflag:s26] =	ssyncadd.s32 @!p0 $0xFFFFFFA0;
	s22 =	sshll.u32 @!p1 s2, $0x6  }
0x48: {  	s23 =	sshrl.u32 @!p1 s23, $0x3;
	s26 =	simm.s32 @!p1 $0x1;
	s22 =	sor.u32 @!p1 $0x1C01, s22  }
0x49: {  	[spmem:s23], [sflag:s22] =	dma.local @!p1 [hbm:s0], $0x60  }
0x4a: {  	_ =	swait.ge @!p1 [sflag:s26], $0x60  }
0x4b: {  	[sflag:s26] =	ssyncset.done @!p1 $0x0  }
0x4c: {  	[sflag:s26] =	ssyncadd.s32 @!p1 $0xFFFFFFA0  }
0x4d: {  	s30 =	simm.s32 $0x13880;
	s26 =	simm.s32 $0x0;
	[bflag:$0x0] =	sbarrier.arrive $0xFFFF  }
0x4e: {  	[tilespmem:s30], [sflag:$0x1] =	stream.linear.gather [hbm4b:s13+s26], $0x28A0, $0x38;
	[tilespmem:$0x1C200] =	vst v63  }
0x4f: {  	_ =	swait.ge [sflag:s21], $0x28A0  }
0x50: {  	[sflag:s21] =	ssyncset.done $0x0  }
0x51: {  	s31 =	simm.s32 $0x16120;
	[sflag:s21] =	ssyncadd.s32 $0xFFFFD760  }
0x52: {  	[tilespmem:s31], [sflag:$0x1] =	stream.linear.gather [hbm4b:s14+s26], $0x28A0, $0x38;
	[tilespmem:$0x1C200] =	vst v63  }
0x53: {  	_ =	swait.ge [sflag:s21], $0x28A0  }
0x54: {  	[sflag:s21] =	ssyncset.done $0x0  }
0x55: {  	s28 =	simm.s32 $0x0;
	[sflag:s21] =	ssyncadd.s32 $0xFFFFD760  }
.LBB2_6:
0x56: {  	s0 =	smul.u32 $0x68, s28;
	_ =	sdelay $0x1  }
0x57: {  	s22 =	sadd.s32 $0x13880, s0  }
0x58: {  	[tilespmem:s25], [sflag:$0x1] =	stream.indirect.gather [spmem:s3], $0x30, s22, s24, $0xb8;
	[tilespmem:$0x1C200] =	vst v63  }
0x59: {  	_ =	swait.ge [sflag:s21], $0x12C0  }
0x5a: {  	[sflag:s21] =	ssyncset.done $0x0  }
0x5b: {  	s30 =	simm.s32 $0x1BBC0;
	s29 =	sadd.s32 $0x16120, s0;
	[sflag:s21] =	ssyncadd.s32 $0xFFFFED40  }
0x5c: {  	[tilespmem:s30], [sflag:$0x1] =	stream.indirect.gather [hbm4b:s5+s24], $0x10, s29, s24, $0xb8;
	[tilespmem:$0x1C200] =	vst v63  }
0x5d: {  	_ =	swait.ge [sflag:s21], $0x640  }
0x5e: {  	[sflag:s21] =	ssyncset.done $0x0  }
0x5f: {  	s31 =	simm.s32 $0x189D0;
	[sflag:s21] =	ssyncadd.s32 $0xFFFFF9C0  }
0x60: {  	v5 =	vld [tilespmem:s31+$0x10]  }
0x61: {  	v6 =	vld [tilespmem:s30+$0x0];
	_ =	sdelay $0x3  }
0x62: {  	v5 =	vunpack.i.l.bf16.f32 v5  }
0x63: {  	v5 =	vadd.f32 v6, v5;
	_ =	sdelay $0x1  }
0x64: {  	v6 =	vmul.f32 $2.000000030e-01, v5;
	_ =	sdelay $0x1  }
0x65: {  	v5 =	vmax.f32 v5, v6  }
0x66: {  	v5 =	vmul.f32 $1.442695020e+00, v5;
	_ =	sdelay $0x1  }
0x67: {  	(erf) = vpow2.f32 v5  }
0x68: {  	v5 =	vmov s26  }
0x69: {  	v5 =	vmul.u32 $0x50, v5;
	_ =	sdelay $0x1  }
0x6a: {  	v5 =	vadd.s32 $0x40, v5  }
0x6b: {  	v5 =	vbroadcast v5, $0x0;
	_ =	sdelay $0x1  }
0x6c: {  	v6 =	vor.u32 v2, v5;
	_ =	sdelay $0x1  }
0x6d: {  	s0 =	simm.s32 $0x19CA0;
	v7 =	vor.u32 v1, v5;
	v8 =	vpop (erf)  }
0x6e: {  	[tilespmem:s0+$0x20] =	vst v8  }
0x6f: {  	v8 =	vld [tilespmem:s31+$0xFFFFFFF0]  }
0x70: {  	v6 =	vld.idx.msk [tilespmem:v6+s20+$0x0], $0xffff;
	_ =	sdelay $0x1  }
0x71: {  	v7 =	vld.idx.msk [tilespmem:v7+s20+$0x0], $0xffff;
	_ =	sdelay $0x1  }
0x72: {  	v9 =	vunpack.i.u.bf16.f32 v8  }
0x73: {  	v6 =	vmul.f32 v6, v9  }
0x74: {  	v8 =	vunpack.i.l.bf16.f32 v8  }
0x75: {  	v7 =	vmul.f32 v7, v8;
	[tilespmem:s0+$0xFFFFFFF0] =	vst v6;
	v6 =	vor.u32 v4, v5  }
0x76: {  	v5 =	vor.u32 v3, v5  }
0x77: {  	[tilespmem:s0+$0xFFFFFFE0] =	vst v7  }
0x78: {  	v7 =	vld [tilespmem:s31+$0x0];
	_ =	sdelay $0x1  }
0x79: {  	v6 =	vld.idx.msk [tilespmem:v6+s20+$0x0], $0xffff  }
0x7a: {  	v5 =	vld.idx.msk [tilespmem:v5+s20+$0x0], $0xffff;
	_ =	sdelay $0x1  }
0x7b: {  	s23 =	simm.s32 $0x19CA0;
	s22 =	simm.s32 $0x1;
	v8 =	vunpack.i.u.bf16.f32 v7;
	v7 =	vunpack.i.l.bf16.f32 v7  }
.LBB2_7:
0x7c: {  	s30 =	sadd.s32 $0x10, s30;
	s0 =	sadd.s32 $0x50, s0;
	s31 =	sadd.s32 $0x30, s31  }
0x7d: {  	p0 =	sne.s32 s22, $0x63;
	v6 =	vmul.f32 v6, v8;
	s7 =	smov.u32 s22;
	s22 =	sadd.s32 $0x1, s22  }
0x7e: {  	v5 =	vmul.f32 v5, v7  }
0x7f: {  	[tilespmem:s23+$0x10] =	vst v6  }
0x80: {  	[tilespmem:s23+$0x0] =	vst v5;
	s23 =	smov.u32 s0  }
0x81: {  	v5 =	vld [tilespmem:s31+$0x10]  }
0x82: {  	v6 =	vld [tilespmem:s30+$0x0];
	_ =	sdelay $0x3  }
0x83: {  	v5 =	vunpack.i.l.bf16.f32 v5  }
0x84: {  	v5 =	vadd.f32 v6, v5;
	_ =	sdelay $0x1  }
0x85: {  	v6 =	vmul.f32 $2.000000030e-01, v5;
	_ =	sdelay $0x1  }
0x86: {  	v5 =	vmax.f32 v5, v6  }
0x87: {  	v5 =	vmul.f32 $1.442695020e+00, v5;
	_ =	sdelay $0x1  }
0x88: {  	v6 =	vmov s7;
	(erf) = vpow2.f32 v5  }
0x89: {  	v5 =	vmul.u32 $0x50, v6;
	_ =	sdelay $0x1  }
0x8a: {  	v5 =	vadd.s32 $0x40, v5  }
0x8b: {  	v5 =	vbroadcast v5, $0x0;
	_ =	sdelay $0x1  }
0x8c: {  	v6 =	vor.u32 v2, v5;
	_ =	sdelay $0x1  }
0x8d: {  	v7 =	vor.u32 v1, v5  }
0x8e: {  	v8 =	vpop (erf)  }
0x8f: {  	[tilespmem:s0+$0x20] =	vst v8  }
0x90: {  	v6 =	vld.idx.msk [tilespmem:v6+s20+$0x0], $0xffff  }
0x91: {  	v8 =	vld [tilespmem:s31+$0xFFFFFFF0]  }
0x92: {  	v7 =	vld.idx.msk [tilespmem:v7+s20+$0x0], $0xffff;
	_ =	sdelay $0x3  }
0x93: {  	v10 =	vor.u32 v4, v5;
	v9 =	vunpack.i.u.bf16.f32 v8  }
0x94: {  	v5 =	vor.u32 v3, v5;
	v8 =	vunpack.i.l.bf16.f32 v8;
	v6 =	vmul.f32 v6, v9  }
0x95: {  	v7 =	vmul.f32 v7, v8  }
0x96: {  	[tilespmem:s0+$0xFFFFFFF0] =	vst v6  }
0x97: {  	[tilespmem:s0+$0xFFFFFFE0] =	vst v7  }
0x98: {  	v7 =	vld [tilespmem:s31+$0x0]  }
.Ltmp2:
0x99: {  	v6 =	vld.idx.msk [tilespmem:v10+s20+$0x0], $0xffff;
	(pc) =	sbr.rel @p0 .LBB2_7-.Ltmp2, $2  }
0x9a: {  	v5 =	vld.idx.msk [tilespmem:v5+s20+$0x0], $0xffff;
	_ =	sdelay $0x2  }
0x9b: {  	v8 =	vunpack.i.u.bf16.f32 v7;
	v7 =	vunpack.i.l.bf16.f32 v7  }
0x9c: {  	v6 =	vmul.f32 v6, v8  }
0x9d: {  	s28 =	sadd.s32 $0x1, s28;
	v5 =	vmul.f32 v5, v7  }
0x9e: {  	p0 =	sne.s32 s28, $0x64;
	[tilespmem:s23+$0x10] =	vst v6  }
.Ltmp3:
0x9f: {  	[tilespmem:s23+$0x0] =	vst v5;
	(pc) =	sbr.rel @p0 .LBB2_6-.Ltmp3, $4  }
0xa0: {  	[spmem:s1] =	stream.indirect.scatter.add.f32 [tilespmem:s20], [sflag:$0x1], $0x50, s29, s24, $0xb8;
	[tilespmem:$0x1C200] =	vst v63  }
0xa1: {  	_ =	swait.ge [sflag:s21], $0x1F40  }
0xa2: {  	[sflag:s21] =	ssyncset.done $0x0  }
0xa3: {  	[sflag:s21] =	ssyncadd.s32 $0xFFFFE0C0  }
0xa4: {  	s0 =	sadd.s32 $0x0, s2  }
0xa5: {  	p0 =	sgt.u32 s0, $0x270  }
0xa6: {  	[bflag:$0x0] =	sbarrier.arrive $0xFFFF;
	s0 =	sshll.u32 @!p0 s2, $0x6  }
0xa7: {  	s7 =	sshrl.u32 @!p0 s19, $0x3;
	s26 =	simm.s32 @!p0 $0x1;
	s0 =	sor.u32 @!p0 $0x1C01, s0  }
0xa8: {  	[hbm:s18], [sflag:s0] =	dma.local @!p0 [spmem:s7], $0xA0  }
0xa9: {  	s23 =	simm.s32 $0x20;
	s28 =	sadd.s32 $0x10, s2;
	_ =	swait.ge @!p0 [sflag:s26], $0xA0  }
0xaa: {  	s22 =	sadd.s32 $0xA00, s18;
	s0 =	sadd.s32 $0x5000, s19;
	[sflag:s26] =	ssyncset.done @!p0 $0x0  }
.LBB2_10:
0xab: {  	s7 =	smov.u32 s23;
	s23 =	sadd.s32 $0x10, s23  }
0xac: {  	[sflag:s26] =	ssyncadd.s32 @!p0 $0xFFFFFF60;
	p0 =	sgt.u32 s28, $0x270;
	p1 =	sne.s32 s23, $0x280  }
.Ltmp4:
0xad: {  	s26 =	sshll.u32 @!p0 s2, $0x6;
	s28 =	sshrl.u32 @!p0 s0, $0x3;
	(pc) =	sbr.rel @p1 .LBB2_10-.Ltmp4, $4  }
0xae: {  	s29 =	sor.u32 @!p0 $0x1C01, s26;
	s26 =	simm.s32 @!p0 $0x1  }
0xaf: {  	[hbm:s22], [sflag:s29] =	dma.local @!p0 [spmem:s28], $0xA0  }
0xb0: {  	s0 =	sadd.s32 $0x5000, s0;
	_ =	swait.ge @!p0 [sflag:s26], $0xA0  }
0xb1: {  	s28 =	sadd.s32 s7, s2;
	s22 =	sadd.s32 $0xA00, s22;
	[sflag:s26] =	ssyncset.done @!p0 $0x0  }
0xb2: {  	p1 =	sgt.u32 s28, $0x270;
	[sflag:s26] =	ssyncadd.s32 @!p0 $0xFFFFFF60;
	s4 =	sadd.s32 $0x1, s4  }
0xb3: {  	s7 =	sshll.u32 @!p1 s2, $0x6;
	s0 =	sshrl.u32 @!p1 s0, $0x3;
	p0 =	sne.s32 s4, s15  }
.Ltmp5:
0xb4: {  	s23 =	simm.s32 @!p1 $0x1;
	s7 =	sor.u32 @!p1 $0x1C01, s7;
	(pc) =	sbr.rel @p0 .LBB2_1-.Ltmp5, $4  }
0xb5: {  	[hbm:s22], [sflag:s7] =	dma.local @!p1 [spmem:s0], $0xA0  }
0xb6: {  	_ =	swait.ge @!p1 [sflag:s23], $0xA0  }
0xb7: {  	[sflag:s23] =	ssyncset.done @!p1 $0x0  }
0xb8: {  	[sflag:s23] =	ssyncadd.s32 @!p1 $0xFFFFFF60  }
0xb9: {  	_ =	sfence.sel $0x180000  }
0xba: {  	[bflag:$0x0] =	sbarrier.arrive $0xFFFF  }
0xbb: {  	_ =	strace $0x90000047  }
0xbc: {  	[bflag:$0x2] =	sbarrier.arrive $0xFFFF  }
0xbd: {  	p0 =	sne.s32 s2, $0x0;
	s0 =	rddreg [dreg:$0x4]  }
0xbe: {  	s0 =	sadd.s32 @!p0 $0x100000, s0  }
0xbf: {  	[sflag:s0] =	ssyncadd.tile.s32 @!p0 $0x1;
	_ =	shalt  }
.Lfunc_end2:
_tile_overlayer_lowered:
.L_overlay_start_2:
0xc0: {  	(tag) =	ssettag $0x2  }
0xc1: {  	s0 =	rddreg [dreg:$0x0];
	s2 =	stileid.u32  }
0xc2: {  	s1 =	rddreg [dreg:$0x1];
	p0 =	sne.s32 s2, $0x0  }
0xc3: {  	s3 =	rddreg [dreg:$0x2];
	[bflag:$0x3] =	sbarrier.arrive $0xFFFF;
	s2 =	simm.s32 @!p0 $0x1C01  }
0xc4: {  	[timem:s3], [sflag:s2] =	dma.local @!p0 [hbm:s0], s1  }
0xc5: {  	s0 =	simm.s32 @!p0 $0x1  }
0xc6: {  	_ =	swait.ge @!p0 [sflag:s0], s1  }
0xc7: {  	s1 =	ssub.s32 @!p0 $0x0, s1;
	[sflag:s0] =	ssyncset.done @!p0 $0x0  }
0xc8: {  	[sflag:s0] =	ssyncadd.s32 @!p0 s1  }
0xc9: {  	[bflag:$0x3] =	sbarrier.arrive $0xFFFF  }
0xca: {  	_ =	shalt  }

</sc_bundles>
